<compile_context>
chip_gen: v7x
topology: tpu7x:2x2x1
jax: 0.10.2.dev20260603
libtpu: 0.0.44.dev20260713+nightly
codegen_flags: <defaults>
</compile_context>

<pallas_src>
import functools

import jax
import jax.numpy as jnp
from jax import lax
from jax.experimental import pallas as pl
from jax.experimental.pallas import tpu as pltpu
from jax.experimental.pallas import tpu_sc as plsc

_C = 128
_NBUF = 5


@functools.lru_cache(maxsize=None)
def _build_gather(batch: int, steps: int, D: int):
    info = plsc.get_sparse_core_info()
    nc, ns = info.num_cores, info.num_subcores
    nw = nc * ns
    wb = batch // nw
    S = wb // _C
    n_chunks = steps * S
    n_periods = n_chunks // _NBUF
    assert _C <= 128 and batch % nw == 0 and wb % _C == 0
    assert n_chunks % _NBUF == 0

    mesh = plsc.VectorSubcoreMesh(core_axis_name="c", subcore_axis_name="s")

    def body(table_hbm, idx_hbm, out_hbm, idx_v, rows_v, gsem, *wsems):
        wid = lax.axis_index("s") * nc + lax.axis_index("c")
        bbase = wid * wb
        pltpu.sync_copy(idx_hbm.at[wid], idx_v)

        def wait_writeout(b):
            pltpu.make_async_copy(
                rows_v.at[b], out_hbm.at[0, pl.ds(bbase, _C)], wsems[b]).wait()

        def out_slice(j):
            step = j // S
            h = j - step * S
            return out_hbm.at[step, pl.ds(bbase + h * _C, _C)]

        def period(o, carry):
            descs = []
            for b in range(_NBUF):
                j = o * _NBUF + b

                @pl.when(o > 0)
                def _():
                    wait_writeout(b)

                descs.append(pltpu.async_copy(
                    table_hbm.at[idx_v.at[j]], rows_v.at[b], gsem))
                if b >= 1:
                    descs[b - 1].wait()
                    pltpu.async_copy(
                        rows_v.at[b - 1], out_slice(j - 1), wsems[b - 1])
            descs[_NBUF - 1].wait()
            pltpu.async_copy(
                rows_v.at[_NBUF - 1],
                out_slice(o * _NBUF + _NBUF - 1), wsems[_NBUF - 1])
            return carry

        lax.fori_loop(0, n_periods, period, 0)
        for b in range(_NBUF):
            wait_writeout(b)

    return pl.kernel(
        body,
        mesh=mesh,
        out_type=jax.ShapeDtypeStruct((steps, batch, D), jnp.float32),
        scratch_types=[
            pltpu.VMEM((n_chunks, _C), jnp.int32),
            pltpu.VMEM((_NBUF, _C, D), jnp.float32),
            pltpu.SemaphoreType.DMA,
        ] + [pltpu.SemaphoreType.DMA] * _NBUF,
    )


def kernel(inputs, embedding):
    batch, steps = inputs.shape
    d = embedding.shape[1]
    info = plsc.get_sparse_core_info()
    nw = info.num_cores * info.num_subcores
    wb = batch // nw
    s = wb // _C
    idx = (inputs.astype(jnp.int32).T
           .reshape(steps, nw, s, _C)
           .transpose(1, 0, 2, 3)
           .reshape(nw, steps * s, _C))
    out = _build_gather(batch, steps, d)(embedding, idx)
    return out.transpose(1, 0, 2)

# --- scband reference (transcript-rebuilt; emitter-appended) ---
"""Pipeline reference for scband-embedding-16312285790443 (READ-ONLY COPY).

The authoritative reference and input builder live on the scoring server;
editing this copy changes nothing except your own understanding.
"""

import jax, jax.numpy as jnp
import numpy as np

VOCAB_SIZE = 100000
EMBED_SIZE = 128
BATCH = 4096
NUM_STEPS = 50

def setup_inputs(seed: int = 0) -> dict:
    key = jax.random.key(seed)
    k_idx, k_emb = jax.random.split(key)
    inputs = jax.random.randint(k_idx, (BATCH, NUM_STEPS), 0, VOCAB_SIZE, dtype=jnp.int64 if jax.config.jax_enable_x64 else jnp.int32)
    embedding = jax.random.normal(k_emb, (VOCAB_SIZE, EMBED_SIZE), dtype=jnp.float32) * 0.05
    return {"inputs": inputs, "embedding": embedding}

def reference(inputs, embedding):
    # tf.gather(self.embedding, inputs) -> take rows of embedding table
    return jnp.take(embedding, inputs, axis=0)

if __name__ == "__main__":
    import jax
    _d = setup_inputs()
    print(jax.jit(kernel)(*tuple(_d.values())))

</pallas_src>

<mosaic_0001>
#map = affine_map<(d0, d1) -> (0, 0)>
#map1 = affine_map<(d0, d1) -> (0, 0, 0)>
module attributes {stable_mosaic.version = 14 : i64} {
  func.func @body(%arg0: i32, %arg1: i32, %arg2: memref<100000x128xf32, #tpu.memory_space<hbm>>, %arg3: memref<32x50x128xi32, #tpu.memory_space<hbm>>, %arg4: memref<50x4096x128xf32, #tpu.memory_space<hbm>>, %arg5: memref<50x128xi32, #tpu.memory_space<vmem>>, %arg6: memref<5x128x128xf32, #tpu.memory_space<vmem>>, %arg7: memref<!tpu.dma_semaphore, #tpu.memory_space<semaphore_mem>>, %arg8: memref<!tpu.dma_semaphore, #tpu.memory_space<semaphore_mem>>, %arg9: memref<!tpu.dma_semaphore, #tpu.memory_space<semaphore_mem>>, %arg10: memref<!tpu.dma_semaphore, #tpu.memory_space<semaphore_mem>>, %arg11: memref<!tpu.dma_semaphore, #tpu.memory_space<semaphore_mem>>, %arg12: memref<!tpu.dma_semaphore, #tpu.memory_space<semaphore_mem>>) attributes {dimension_semantics = [#tpu.dimension_semantics<core_parallel>, #tpu.dimension_semantics<subcore_parallel>], iteration_bounds = array<i64: 2, 16>, scalar_prefetch = 0 : i64, scratch_operands = 8 : i64, tpu.core_type = #tpu.core_type<sc_vector_subcore>, window_params = [{transform_indices = #map}, {transform_indices = #map1}, {transform_indices = #map1}]} {
    %mul3A = arith.constant 2 : i32
    %mul3A_0 = arith.muli %arg1, %mul3A : i32
    %add3A = arith.addi %mul3A_0, %arg0 : i32
    %mul3A_1 = arith.constant 128 : i32
    %mul3A_2 = arith.muli %add3A, %mul3A_1 : i32
    "tpu.region"() ({
      %run_scoped3A = tpu.sem_alloc : memref<!tpu.dma_semaphore, #tpu.memory_space<semaphore_mem>>
      %dma_start3A = arith.constant 0 : i32
      %dma_start3A_87 = arith.constant 0 : i32
      %dma_start3A_88 = tpu.memref_slice %arg3[%add3A, %dma_start3A, %dma_start3A_87] : memref<32x50x128xi32, #tpu.memory_space<hbm>> -> memref<1x50x128xi32, #tpu.memory_space<hbm>>
      %dma_start3A_89 = tpu.memref_squeeze %dma_start3A_88 : memref<1x50x128xi32, #tpu.memory_space<hbm>> -> memref<50x128xi32, #tpu.memory_space<hbm>>
      %dma_start3A_90 = arith.constant 0 : i32
      %dma_start3A_91 = arith.constant 0 : i32
      %dma_start3A_92 = tpu.memref_slice %arg3[%add3A, %dma_start3A_90, %dma_start3A_91] : memref<32x50x128xi32, #tpu.memory_space<hbm>> -> memref<1x50x128xi32, #tpu.memory_space<hbm>>
      %dma_start3A_93 = tpu.memref_squeeze %dma_start3A_92 : memref<1x50x128xi32, #tpu.memory_space<hbm>> -> memref<50x128xi32, #tpu.memory_space<hbm>>
      tpu.enqueue_dma source(%dma_start3A_93 : memref<50x128xi32, #tpu.memory_space<hbm>>) target(%arg5 : memref<50x128xi32, #tpu.memory_space<vmem>>) target_semaphore(%run_scoped3A : memref<!tpu.dma_semaphore, #tpu.memory_space<semaphore_mem>>)
      %dma_wait3A_94 = arith.constant 0 : i32
      %dma_wait3A_95 = arith.constant 0 : i32
      %dma_wait3A_96 = tpu.memref_slice %arg3[%add3A, %dma_wait3A_94, %dma_wait3A_95] : memref<32x50x128xi32, #tpu.memory_space<hbm>> -> memref<1x50x128xi32, #tpu.memory_space<hbm>>
      %dma_wait3A_97 = tpu.memref_squeeze %dma_wait3A_96 : memref<1x50x128xi32, #tpu.memory_space<hbm>> -> memref<50x128xi32, #tpu.memory_space<hbm>>
      %dma_wait3A_98 = arith.constant 0 : i32
      %dma_wait3A_99 = arith.constant 0 : i32
      %dma_wait3A_100 = tpu.memref_slice %arg3[%add3A, %dma_wait3A_98, %dma_wait3A_99] : memref<32x50x128xi32, #tpu.memory_space<hbm>> -> memref<1x50x128xi32, #tpu.memory_space<hbm>>
      %dma_wait3A_101 = tpu.memref_squeeze %dma_wait3A_100 : memref<1x50x128xi32, #tpu.memory_space<hbm>> -> memref<50x128xi32, #tpu.memory_space<hbm>>
      tpu.wait_dma2 semaphore(%run_scoped3A : memref<!tpu.dma_semaphore, #tpu.memory_space<semaphore_mem>>) src(%dma_wait3A_101 : memref<50x128xi32, #tpu.memory_space<hbm>>) dst(%arg5 : memref<50x128xi32, #tpu.memory_space<vmem>>)
      tpu.yield
    }) : () -> ()
    %scan3A = arith.constant 0 : i32
    %scan3A_3 = arith.constant 0 : i32
    %scan3A_4 = arith.constant 10 : i32
    %scan3A_5 = arith.addi %scan3A_3, %scan3A_4 : i32
    %scan3A_6 = arith.constant 1 : i32
    scf.for %scan3A_87 = %scan3A_3 to %scan3A_5 step %scan3A_6  : i32 {
      %mul3A_88 = arith.constant 5 : i32
      %mul3A_89 = arith.muli %scan3A_87, %mul3A_88 : i32
      %add3A_90 = arith.constant 0 : i32
      %add3A_91 = arith.addi %mul3A_89, %add3A_90 : i32
      %gt3A = arith.constant 0 : i32
      %gt3A_92 = arith.cmpi sgt, %scan3A_87, %gt3A : i32
      %convert_element_type3A = arith.extui %gt3A_92 : i1 to i32
      %cond3A = arith.constant 0 : i32
      %cond3A_93 = arith.cmpi ne, %convert_element_type3A, %cond3A : i32
      scf.if %cond3A_93 {
        %dma_wait3A_470 = arith.constant 0 : i32
        %dma_wait3A_471 = arith.constant 0 : i32
        %dma_wait3A_472 = arith.constant 0 : i32
        %dma_wait3A_473 = arith.constant 0 : i32
        %dma_wait3A_474 = tpu.memref_slice %arg6[%dma_wait3A_470, %dma_wait3A_472, %dma_wait3A_473] : memref<5x128x128xf32, #tpu.memory_space<vmem>> -> memref<1x128x128xf32, #tpu.memory_space<vmem>>
        %dma_wait3A_475 = tpu.memref_squeeze %dma_wait3A_474 : memref<1x128x128xf32, #tpu.memory_space<vmem>> -> memref<128x128xf32, #tpu.memory_space<vmem>>
        %dma_wait3A_476 = arith.constant 0 : i32
        %dma_wait3A_477 = tpu.memref_slice %arg4[%dma_wait3A_471, %mul3A_2, %dma_wait3A_476] : memref<50x4096x128xf32, #tpu.memory_space<hbm>> -> memref<1x128x128xf32, #tpu.memory_space<hbm>>
        %dma_wait3A_478 = tpu.memref_squeeze %dma_wait3A_477 : memref<1x128x128xf32, #tpu.memory_space<hbm>> -> memref<128x128xf32, #tpu.memory_space<hbm>>
        %dma_wait3A_479 = arith.constant 0 : i32
        %dma_wait3A_480 = tpu.memref_slice %arg4[%dma_wait3A_471, %mul3A_2, %dma_wait3A_479] : memref<50x4096x128xf32, #tpu.memory_space<hbm>> -> memref<1x128x128xf32, #tpu.memory_space<hbm>>
        %dma_wait3A_481 = tpu.memref_squeeze %dma_wait3A_480 : memref<1x128x128xf32, #tpu.memory_space<hbm>> -> memref<128x128xf32, #tpu.memory_space<hbm>>
        %dma_wait3A_482 = arith.constant 0 : i32
        %dma_wait3A_483 = arith.constant 0 : i32
        %dma_wait3A_484 = tpu.memref_slice %arg6[%dma_wait3A_470, %dma_wait3A_482, %dma_wait3A_483] : memref<5x128x128xf32, #tpu.memory_space<vmem>> -> memref<1x128x128xf32, #tpu.memory_space<vmem>>
        %dma_wait3A_485 = tpu.memref_squeeze %dma_wait3A_484 : memref<1x128x128xf32, #tpu.memory_space<vmem>> -> memref<128x128xf32, #tpu.memory_space<vmem>>
        tpu.wait_dma2 semaphore(%arg8 : memref<!tpu.dma_semaphore, #tpu.memory_space<semaphore_mem>>) src(%dma_wait3A_485 : memref<128x128xf32, #tpu.memory_space<vmem>>) dst(%dma_wait3A_481 : memref<128x128xf32, #tpu.memory_space<hbm>>)
      } else {
      }
      %dma_start3A = arith.constant 0 : i32
      %dma_start3A_94 = arith.constant 0 : i32
      %dma_start3A_95 = arith.constant 0 : i32
      %dma_start3A_96 = tpu.memref_slice %arg6[%dma_start3A, %dma_start3A_94, %dma_start3A_95] : memref<5x128x128xf32, #tpu.memory_space<vmem>> -> memref<1x128x128xf32, #tpu.memory_space<vmem>>
      %dma_start3A_97 = tpu.memref_squeeze %dma_start3A_96 : memref<1x128x128xf32, #tpu.memory_space<vmem>> -> memref<128x128xf32, #tpu.memory_space<vmem>>
      %dma_start3A_98 = arith.constant 0 : i32
      %dma_start3A_99 = tpu.memref_slice %arg5[%add3A_91, %dma_start3A_98] : memref<50x128xi32, #tpu.memory_space<vmem>> -> memref<1x128xi32, #tpu.memory_space<vmem>>
      %dma_start3A_100 = tpu.memref_squeeze %dma_start3A_99 : memref<1x128xi32, #tpu.memory_space<vmem>> -> memref<128xi32, #tpu.memory_space<vmem>>
      %dma_start3A_101 = arith.constant 0 : i32
      %dma_start3A_102 = arith.constant 0 : i32
      %dma_start3A_103 = tpu.memref_slice %arg2[%dma_start3A_101, %dma_start3A_102] : memref<100000x128xf32, #tpu.memory_space<hbm>> -> memref<100000x128xf32, #tpu.memory_space<hbm>>
      tpu.enqueue_indirect_dma source(%dma_start3A_103 : memref<100000x128xf32, #tpu.memory_space<hbm>>) target(%dma_start3A_97 : memref<128x128xf32, #tpu.memory_space<vmem>>) offsets(%dma_start3A_100 : memref<128xi32, #tpu.memory_space<vmem>>) semaphore(%arg7 : memref<!tpu.dma_semaphore, #tpu.memory_space<semaphore_mem>>)
      %mul3A_104 = arith.constant 5 : i32
      %mul3A_105 = arith.muli %scan3A_87, %mul3A_104 : i32
      %add3A_106 = arith.constant 1 : i32
      %add3A_107 = arith.addi %mul3A_105, %add3A_106 : i32
      %gt3A_108 = arith.constant 0 : i32
      %gt3A_109 = arith.cmpi sgt, %scan3A_87, %gt3A_108 : i32
      %convert_element_type3A_110 = arith.extui %gt3A_109 : i1 to i32
      %cond3A_111 = arith.constant 0 : i32
      %cond3A_112 = arith.cmpi ne, %convert_element_type3A_110, %cond3A_111 : i32
      scf.if %cond3A_112 {
        %dma_wait3A_470 = arith.constant 1 : i32
        %dma_wait3A_471 = arith.constant 0 : i32
        %dma_wait3A_472 = arith.constant 0 : i32
        %dma_wait3A_473 = arith.constant 0 : i32
        %dma_wait3A_474 = tpu.memref_slice %arg6[%dma_wait3A_470, %dma_wait3A_472, %dma_wait3A_473] : memref<5x128x128xf32, #tpu.memory_space<vmem>> -> memref<1x128x128xf32, #tpu.memory_space<vmem>>
        %dma_wait3A_475 = tpu.memref_squeeze %dma_wait3A_474 : memref<1x128x128xf32, #tpu.memory_space<vmem>> -> memref<128x128xf32, #tpu.memory_space<vmem>>
        %dma_wait3A_476 = arith.constant 0 : i32
        %dma_wait3A_477 = tpu.memref_slice %arg4[%dma_wait3A_471, %mul3A_2, %dma_wait3A_476] : memref<50x4096x128xf32, #tpu.memory_space<hbm>> -> memref<1x128x128xf32, #tpu.memory_space<hbm>>
        %dma_wait3A_478 = tpu.memref_squeeze %dma_wait3A_477 : memref<1x128x128xf32, #tpu.memory_space<hbm>> -> memref<128x128xf32, #tpu.memory_space<hbm>>
        %dma_wait3A_479 = arith.constant 0 : i32
        %dma_wait3A_480 = tpu.memref_slice %arg4[%dma_wait3A_471, %mul3A_2, %dma_wait3A_479] : memref<50x4096x128xf32, #tpu.memory_space<hbm>> -> memref<1x128x128xf32, #tpu.memory_space<hbm>>
        %dma_wait3A_481 = tpu.memref_squeeze %dma_wait3A_480 : memref<1x128x128xf32, #tpu.memory_space<hbm>> -> memref<128x128xf32, #tpu.memory_space<hbm>>
        %dma_wait3A_482 = arith.constant 0 : i32
        %dma_wait3A_483 = arith.constant 0 : i32
        %dma_wait3A_484 = tpu.memref_slice %arg6[%dma_wait3A_470, %dma_wait3A_482, %dma_wait3A_483] : memref<5x128x128xf32, #tpu.memory_space<vmem>> -> memref<1x128x128xf32, #tpu.memory_space<vmem>>
        %dma_wait3A_485 = tpu.memref_squeeze %dma_wait3A_484 : memref<1x128x128xf32, #tpu.memory_space<vmem>> -> memref<128x128xf32, #tpu.memory_space<vmem>>
        tpu.wait_dma2 semaphore(%arg9 : memref<!tpu.dma_semaphore, #tpu.memory_space<semaphore_mem>>) src(%dma_wait3A_485 : memref<128x128xf32, #tpu.memory_space<vmem>>) dst(%dma_wait3A_481 : memref<128x128xf32, #tpu.memory_space<hbm>>)
      } else {
      }
      %dma_start3A_113 = arith.constant 1 : i32
      %dma_start3A_114 = arith.constant 0 : i32
      %dma_start3A_115 = arith.constant 0 : i32
      %dma_start3A_116 = tpu.memref_slice %arg6[%dma_start3A_113, %dma_start3A_114, %dma_start3A_115] : memref<5x128x128xf32, #tpu.memory_space<vmem>> -> memref<1x128x128xf32, #tpu.memory_space<vmem>>
      %dma_start3A_117 = tpu.memref_squeeze %dma_start3A_116 : memref<1x128x128xf32, #tpu.memory_space<vmem>> -> memref<128x128xf32, #tpu.memory_space<vmem>>
      %dma_start3A_118 = arith.constant 0 : i32
      %dma_start3A_119 = tpu.memref_slice %arg5[%add3A_107, %dma_start3A_118] : memref<50x128xi32, #tpu.memory_space<vmem>> -> memref<1x128xi32, #tpu.memory_space<vmem>>
      %dma_start3A_120 = tpu.memref_squeeze %dma_start3A_119 : memref<1x128xi32, #tpu.memory_space<vmem>> -> memref<128xi32, #tpu.memory_space<vmem>>
      %dma_start3A_121 = arith.constant 0 : i32
      %dma_start3A_122 = arith.constant 0 : i32
      %dma_start3A_123 = tpu.memref_slice %arg2[%dma_start3A_121, %dma_start3A_122] : memref<100000x128xf32, #tpu.memory_space<hbm>> -> memref<100000x128xf32, #tpu.memory_space<hbm>>
      tpu.enqueue_indirect_dma source(%dma_start3A_123 : memref<100000x128xf32, #tpu.memory_space<hbm>>) target(%dma_start3A_117 : memref<128x128xf32, #tpu.memory_space<vmem>>) offsets(%dma_start3A_120 : memref<128xi32, #tpu.memory_space<vmem>>) semaphore(%arg7 : memref<!tpu.dma_semaphore, #tpu.memory_space<semaphore_mem>>)
      %dma_wait3A_124 = arith.constant 0 : i32
      %dma_wait3A_125 = arith.constant 0 : i32
      %dma_wait3A_126 = arith.constant 0 : i32
      %dma_wait3A_127 = tpu.memref_slice %arg6[%dma_wait3A_124, %dma_wait3A_125, %dma_wait3A_126] : memref<5x128x128xf32, #tpu.memory_space<vmem>> -> memref<1x128x128xf32, #tpu.memory_space<vmem>>
      %dma_wait3A_128 = tpu.memref_squeeze %dma_wait3A_127 : memref<1x128x128xf32, #tpu.memory_space<vmem>> -> memref<128x128xf32, #tpu.memory_space<vmem>>
      %dma_wait3A_129 = arith.constant 0 : i32
      %dma_wait3A_130 = tpu.memref_slice %arg5[%add3A_91, %dma_wait3A_129] : memref<50x128xi32, #tpu.memory_space<vmem>> -> memref<1x128xi32, #tpu.memory_space<vmem>>
      %dma_wait3A_131 = tpu.memref_squeeze %dma_wait3A_130 : memref<1x128xi32, #tpu.memory_space<vmem>> -> memref<128xi32, #tpu.memory_space<vmem>>
      %dma_wait3A_132 = arith.constant 0 : i32
      %dma_wait3A_133 = arith.constant 0 : i32
      %dma_wait3A_134 = tpu.memref_slice %arg2[%dma_wait3A_132, %dma_wait3A_133] : memref<100000x128xf32, #tpu.memory_space<hbm>> -> memref<100000x128xf32, #tpu.memory_space<hbm>>
      tpu.wait_indirect_dma semaphore(%arg7 : memref<!tpu.dma_semaphore, #tpu.memory_space<semaphore_mem>>) src(%dma_wait3A_134 : memref<100000x128xf32, #tpu.memory_space<hbm>>) dst(%dma_wait3A_128 : memref<128x128xf32, #tpu.memory_space<vmem>>)
      %sub3A = arith.constant 1 : i32
      %sub3A_135 = arith.subi %add3A_107, %sub3A : i32
      %jit3A = arith.constant 1 : i32
      %div3A = arith.divsi %sub3A_135, %jit3A : i32
      %sign3A = arith.constant 0 : i32
      %sign3A_136 = arith.cmpi sgt, %sub3A_135, %sign3A : i32
      %sign3A_137 = arith.extui %sign3A_136 : i1 to i32
      %sign3A_138 = arith.constant 0 : i32
      %sign3A_139 = arith.cmpi slt, %sub3A_135, %sign3A_138 : i32
      %sign3A_140 = arith.extui %sign3A_139 : i1 to i32
      %sign3A_141 = arith.subi %sign3A_137, %sign3A_140 : i32
      %sign3A_142 = arith.constant 0 : i32
      %sign3A_143 = arith.cmpi sgt, %jit3A, %sign3A_142 : i32
      %sign3A_144 = arith.extui %sign3A_143 : i1 to i32
      %sign3A_145 = arith.constant 0 : i32
      %sign3A_146 = arith.cmpi slt, %jit3A, %sign3A_145 : i32
      %sign3A_147 = arith.extui %sign3A_146 : i1 to i32
      %sign3A_148 = arith.subi %sign3A_144, %sign3A_147 : i32
      %ne3A = arith.cmpi ne, %sign3A_141, %sign3A_148 : i32
      %rem3A = arith.remsi %sub3A_135, %jit3A : i32
      %ne3A_149 = arith.constant 0 : i32
      %ne3A_150 = arith.cmpi ne, %rem3A, %ne3A_149 : i32
      %and3A = arith.andi %ne3A, %ne3A_150 : i1
      %sub3A_151 = arith.constant 1 : i32
      %sub3A_152 = arith.subi %div3A, %sub3A_151 : i32
      %select_n3A = arith.select %and3A, %sub3A_152, %div3A : i32
      %mul3A_153 = arith.constant 1 : i32
      %mul3A_154 = arith.muli %select_n3A, %mul3A_153 : i32
      %sub3A_155 = arith.subi %sub3A_135, %mul3A_154 : i32
      %mul3A_156 = arith.constant 128 : i32
      %mul3A_157 = arith.muli %sub3A_155, %mul3A_156 : i32
      %add3A_158 = arith.addi %mul3A_2, %mul3A_157 : i32
      %dma_start3A_159 = arith.constant 0 : i32
      %dma_start3A_160 = arith.constant 0 : i32
      %dma_start3A_161 = arith.constant 0 : i32
      %dma_start3A_162 = tpu.memref_slice %arg6[%dma_start3A_159, %dma_start3A_160, %dma_start3A_161] : memref<5x128x128xf32, #tpu.memory_space<vmem>> -> memref<1x128x128xf32, #tpu.memory_space<vmem>>
      %dma_start3A_163 = tpu.memref_squeeze %dma_start3A_162 : memref<1x128x128xf32, #tpu.memory_space<vmem>> -> memref<128x128xf32, #tpu.memory_space<vmem>>
      %dma_start3A_164 = arith.constant 0 : i32
      %dma_start3A_165 = tpu.memref_slice %arg4[%select_n3A, %add3A_158, %dma_start3A_164] : memref<50x4096x128xf32, #tpu.memory_space<hbm>> -> memref<1x128x128xf32, #tpu.memory_space<hbm>>
      %dma_start3A_166 = tpu.memref_squeeze %dma_start3A_165 : memref<1x128x128xf32, #tpu.memory_space<hbm>> -> memref<128x128xf32, #tpu.memory_space<hbm>>
      %dma_start3A_167 = arith.constant 0 : i32
      %dma_start3A_168 = tpu.memref_slice %arg4[%select_n3A, %add3A_158, %dma_start3A_167] : memref<50x4096x128xf32, #tpu.memory_space<hbm>> -> memref<1x128x128xf32, #tpu.memory_space<hbm>>
      %dma_start3A_169 = tpu.memref_squeeze %dma_start3A_168 : memref<1x128x128xf32, #tpu.memory_space<hbm>> -> memref<128x128xf32, #tpu.memory_space<hbm>>
      %dma_start3A_170 = arith.constant 0 : i32
      %dma_start3A_171 = arith.constant 0 : i32
      %dma_start3A_172 = tpu.memref_slice %arg6[%dma_start3A_159, %dma_start3A_170, %dma_start3A_171] : memref<5x128x128xf32, #tpu.memory_space<vmem>> -> memref<1x128x128xf32, #tpu.memory_space<vmem>>
      %dma_start3A_173 = tpu.memref_squeeze %dma_start3A_172 : memref<1x128x128xf32, #tpu.memory_space<vmem>> -> memref<128x128xf32, #tpu.memory_space<vmem>>
      tpu.enqueue_dma source(%dma_start3A_173 : memref<128x128xf32, #tpu.memory_space<vmem>>) target(%dma_start3A_169 : memref<128x128xf32, #tpu.memory_space<hbm>>) target_semaphore(%arg8 : memref<!tpu.dma_semaphore, #tpu.memory_space<semaphore_mem>>)
      %mul3A_174 = arith.constant 5 : i32
      %mul3A_175 = arith.muli %scan3A_87, %mul3A_174 : i32
      %add3A_176 = arith.constant 2 : i32
      %add3A_177 = arith.addi %mul3A_175, %add3A_176 : i32
      %gt3A_178 = arith.constant 0 : i32
      %gt3A_179 = arith.cmpi sgt, %scan3A_87, %gt3A_178 : i32
      %convert_element_type3A_180 = arith.extui %gt3A_179 : i1 to i32
      %cond3A_181 = arith.constant 0 : i32
      %cond3A_182 = arith.cmpi ne, %convert_element_type3A_180, %cond3A_181 : i32
      scf.if %cond3A_182 {
        %dma_wait3A_470 = arith.constant 2 : i32
        %dma_wait3A_471 = arith.constant 0 : i32
        %dma_wait3A_472 = arith.constant 0 : i32
        %dma_wait3A_473 = arith.constant 0 : i32
        %dma_wait3A_474 = tpu.memref_slice %arg6[%dma_wait3A_470, %dma_wait3A_472, %dma_wait3A_473] : memref<5x128x128xf32, #tpu.memory_space<vmem>> -> memref<1x128x128xf32, #tpu.memory_space<vmem>>
        %dma_wait3A_475 = tpu.memref_squeeze %dma_wait3A_474 : memref<1x128x128xf32, #tpu.memory_space<vmem>> -> memref<128x128xf32, #tpu.memory_space<vmem>>
        %dma_wait3A_476 = arith.constant 0 : i32
        %dma_wait3A_477 = tpu.memref_slice %arg4[%dma_wait3A_471, %mul3A_2, %dma_wait3A_476] : memref<50x4096x128xf32, #tpu.memory_space<hbm>> -> memref<1x128x128xf32, #tpu.memory_space<hbm>>
        %dma_wait3A_478 = tpu.memref_squeeze %dma_wait3A_477 : memref<1x128x128xf32, #tpu.memory_space<hbm>> -> memref<128x128xf32, #tpu.memory_space<hbm>>
        %dma_wait3A_479 = arith.constant 0 : i32
        %dma_wait3A_480 = tpu.memref_slice %arg4[%dma_wait3A_471, %mul3A_2, %dma_wait3A_479] : memref<50x4096x128xf32, #tpu.memory_space<hbm>> -> memref<1x128x128xf32, #tpu.memory_space<hbm>>
        %dma_wait3A_481 = tpu.memref_squeeze %dma_wait3A_480 : memref<1x128x128xf32, #tpu.memory_space<hbm>> -> memref<128x128xf32, #tpu.memory_space<hbm>>
        %dma_wait3A_482 = arith.constant 0 : i32
        %dma_wait3A_483 = arith.constant 0 : i32
        %dma_wait3A_484 = tpu.memref_slice %arg6[%dma_wait3A_470, %dma_wait3A_482, %dma_wait3A_483] : memref<5x128x128xf32, #tpu.memory_space<vmem>> -> memref<1x128x128xf32, #tpu.memory_space<vmem>>
        %dma_wait3A_485 = tpu.memref_squeeze %dma_wait3A_484 : memref<1x128x128xf32, #tpu.memory_space<vmem>> -> memref<128x128xf32, #tpu.memory_space<vmem>>
        tpu.wait_dma2 semaphore(%arg10 : memref<!tpu.dma_semaphore, #tpu.memory_space<semaphore_mem>>) src(%dma_wait3A_485 : memref<128x128xf32, #tpu.memory_space<vmem>>) dst(%dma_wait3A_481 : memref<128x128xf32, #tpu.memory_space<hbm>>)
      } else {
      }
      %dma_start3A_183 = arith.constant 2 : i32
      %dma_start3A_184 = arith.constant 0 : i32
      %dma_start3A_185 = arith.constant 0 : i32
      %dma_start3A_186 = tpu.memref_slice %arg6[%dma_start3A_183, %dma_start3A_184, %dma_start3A_185] : memref<5x128x128xf32, #tpu.memory_space<vmem>> -> memref<1x128x128xf32, #tpu.memory_space<vmem>>
      %dma_start3A_187 = tpu.memref_squeeze %dma_start3A_186 : memref<1x128x128xf32, #tpu.memory_space<vmem>> -> memref<128x128xf32, #tpu.memory_space<vmem>>
      %dma_start3A_188 = arith.constant 0 : i32
      %dma_start3A_189 = tpu.memref_slice %arg5[%add3A_177, %dma_start3A_188] : memref<50x128xi32, #tpu.memory_space<vmem>> -> memref<1x128xi32, #tpu.memory_space<vmem>>
      %dma_start3A_190 = tpu.memref_squeeze %dma_start3A_189 : memref<1x128xi32, #tpu.memory_space<vmem>> -> memref<128xi32, #tpu.memory_space<vmem>>
      %dma_start3A_191 = arith.constant 0 : i32
      %dma_start3A_192 = arith.constant 0 : i32
      %dma_start3A_193 = tpu.memref_slice %arg2[%dma_start3A_191, %dma_start3A_192] : memref<100000x128xf32, #tpu.memory_space<hbm>> -> memref<100000x128xf32, #tpu.memory_space<hbm>>
      tpu.enqueue_indirect_dma source(%dma_start3A_193 : memref<100000x128xf32, #tpu.memory_space<hbm>>) target(%dma_start3A_187 : memref<128x128xf32, #tpu.memory_space<vmem>>) offsets(%dma_start3A_190 : memref<128xi32, #tpu.memory_space<vmem>>) semaphore(%arg7 : memref<!tpu.dma_semaphore, #tpu.memory_space<semaphore_mem>>)
      %dma_wait3A_194 = arith.constant 1 : i32
      %dma_wait3A_195 = arith.constant 0 : i32
      %dma_wait3A_196 = arith.constant 0 : i32
      %dma_wait3A_197 = tpu.memref_slice %arg6[%dma_wait3A_194, %dma_wait3A_195, %dma_wait3A_196] : memref<5x128x128xf32, #tpu.memory_space<vmem>> -> memref<1x128x128xf32, #tpu.memory_space<vmem>>
      %dma_wait3A_198 = tpu.memref_squeeze %dma_wait3A_197 : memref<1x128x128xf32, #tpu.memory_space<vmem>> -> memref<128x128xf32, #tpu.memory_space<vmem>>
      %dma_wait3A_199 = arith.constant 0 : i32
      %dma_wait3A_200 = tpu.memref_slice %arg5[%add3A_107, %dma_wait3A_199] : memref<50x128xi32, #tpu.memory_space<vmem>> -> memref<1x128xi32, #tpu.memory_space<vmem>>
      %dma_wait3A_201 = tpu.memref_squeeze %dma_wait3A_200 : memref<1x128xi32, #tpu.memory_space<vmem>> -> memref<128xi32, #tpu.memory_space<vmem>>
      %dma_wait3A_202 = arith.constant 0 : i32
      %dma_wait3A_203 = arith.constant 0 : i32
      %dma_wait3A_204 = tpu.memref_slice %arg2[%dma_wait3A_202, %dma_wait3A_203] : memref<100000x128xf32, #tpu.memory_space<hbm>> -> memref<100000x128xf32, #tpu.memory_space<hbm>>
      tpu.wait_indirect_dma semaphore(%arg7 : memref<!tpu.dma_semaphore, #tpu.memory_space<semaphore_mem>>) src(%dma_wait3A_204 : memref<100000x128xf32, #tpu.memory_space<hbm>>) dst(%dma_wait3A_198 : memref<128x128xf32, #tpu.memory_space<vmem>>)
      %sub3A_205 = arith.constant 1 : i32
      %sub3A_206 = arith.subi %add3A_177, %sub3A_205 : i32
      %jit3A_207 = arith.constant 1 : i32
      %div3A_208 = arith.divsi %sub3A_206, %jit3A_207 : i32
      %sign3A_209 = arith.constant 0 : i32
      %sign3A_210 = arith.cmpi sgt, %sub3A_206, %sign3A_209 : i32
      %sign3A_211 = arith.extui %sign3A_210 : i1 to i32
      %sign3A_212 = arith.constant 0 : i32
      %sign3A_213 = arith.cmpi slt, %sub3A_206, %sign3A_212 : i32
      %sign3A_214 = arith.extui %sign3A_213 : i1 to i32
      %sign3A_215 = arith.subi %sign3A_211, %sign3A_214 : i32
      %sign3A_216 = arith.constant 0 : i32
      %sign3A_217 = arith.cmpi sgt, %jit3A_207, %sign3A_216 : i32
      %sign3A_218 = arith.extui %sign3A_217 : i1 to i32
      %sign3A_219 = arith.constant 0 : i32
      %sign3A_220 = arith.cmpi slt, %jit3A_207, %sign3A_219 : i32
      %sign3A_221 = arith.extui %sign3A_220 : i1 to i32
      %sign3A_222 = arith.subi %sign3A_218, %sign3A_221 : i32
      %ne3A_223 = arith.cmpi ne, %sign3A_215, %sign3A_222 : i32
      %rem3A_224 = arith.remsi %sub3A_206, %jit3A_207 : i32
      %ne3A_225 = arith.constant 0 : i32
      %ne3A_226 = arith.cmpi ne, %rem3A_224, %ne3A_225 : i32
      %and3A_227 = arith.andi %ne3A_223, %ne3A_226 : i1
      %sub3A_228 = arith.constant 1 : i32
      %sub3A_229 = arith.subi %div3A_208, %sub3A_228 : i32
      %select_n3A_230 = arith.select %and3A_227, %sub3A_229, %div3A_208 : i32
      %mul3A_231 = arith.constant 1 : i32
      %mul3A_232 = arith.muli %select_n3A_230, %mul3A_231 : i32
      %sub3A_233 = arith.subi %sub3A_206, %mul3A_232 : i32
      %mul3A_234 = arith.constant 128 : i32
      %mul3A_235 = arith.muli %sub3A_233, %mul3A_234 : i32
      %add3A_236 = arith.addi %mul3A_2, %mul3A_235 : i32
      %dma_start3A_237 = arith.constant 1 : i32
      %dma_start3A_238 = arith.constant 0 : i32
      %dma_start3A_239 = arith.constant 0 : i32
      %dma_start3A_240 = tpu.memref_slice %arg6[%dma_start3A_237, %dma_start3A_238, %dma_start3A_239] : memref<5x128x128xf32, #tpu.memory_space<vmem>> -> memref<1x128x128xf32, #tpu.memory_space<vmem>>
      %dma_start3A_241 = tpu.memref_squeeze %dma_start3A_240 : memref<1x128x128xf32, #tpu.memory_space<vmem>> -> memref<128x128xf32, #tpu.memory_space<vmem>>
      %dma_start3A_242 = arith.constant 0 : i32
      %dma_start3A_243 = tpu.memref_slice %arg4[%select_n3A_230, %add3A_236, %dma_start3A_242] : memref<50x4096x128xf32, #tpu.memory_space<hbm>> -> memref<1x128x128xf32, #tpu.memory_space<hbm>>
      %dma_start3A_244 = tpu.memref_squeeze %dma_start3A_243 : memref<1x128x128xf32, #tpu.memory_space<hbm>> -> memref<128x128xf32, #tpu.memory_space<hbm>>
      %dma_start3A_245 = arith.constant 0 : i32
      %dma_start3A_246 = tpu.memref_slice %arg4[%select_n3A_230, %add3A_236, %dma_start3A_245] : memref<50x4096x128xf32, #tpu.memory_space<hbm>> -> memref<1x128x128xf32, #tpu.memory_space<hbm>>
      %dma_start3A_247 = tpu.memref_squeeze %dma_start3A_246 : memref<1x128x128xf32, #tpu.memory_space<hbm>> -> memref<128x128xf32, #tpu.memory_space<hbm>>
      %dma_start3A_248 = arith.constant 0 : i32
      %dma_start3A_249 = arith.constant 0 : i32
      %dma_start3A_250 = tpu.memref_slice %arg6[%dma_start3A_237, %dma_start3A_248, %dma_start3A_249] : memref<5x128x128xf32, #tpu.memory_space<vmem>> -> memref<1x128x128xf32, #tpu.memory_space<vmem>>
      %dma_start3A_251 = tpu.memref_squeeze %dma_start3A_250 : memref<1x128x128xf32, #tpu.memory_space<vmem>> -> memref<128x128xf32, #tpu.memory_space<vmem>>
      tpu.enqueue_dma source(%dma_start3A_251 : memref<128x128xf32, #tpu.memory_space<vmem>>) target(%dma_start3A_247 : memref<128x128xf32, #tpu.memory_space<hbm>>) target_semaphore(%arg9 : memref<!tpu.dma_semaphore, #tpu.memory_space<semaphore_mem>>)
      %mul3A_252 = arith.constant 5 : i32
      %mul3A_253 = arith.muli %scan3A_87, %mul3A_252 : i32
      %add3A_254 = arith.constant 3 : i32
      %add3A_255 = arith.addi %mul3A_253, %add3A_254 : i32
      %gt3A_256 = arith.constant 0 : i32
      %gt3A_257 = arith.cmpi sgt, %scan3A_87, %gt3A_256 : i32
      %convert_element_type3A_258 = arith.extui %gt3A_257 : i1 to i32
      %cond3A_259 = arith.constant 0 : i32
      %cond3A_260 = arith.cmpi ne, %convert_element_type3A_258, %cond3A_259 : i32
      scf.if %cond3A_260 {
        %dma_wait3A_470 = arith.constant 3 : i32
        %dma_wait3A_471 = arith.constant 0 : i32
        %dma_wait3A_472 = arith.constant 0 : i32
        %dma_wait3A_473 = arith.constant 0 : i32
        %dma_wait3A_474 = tpu.memref_slice %arg6[%dma_wait3A_470, %dma_wait3A_472, %dma_wait3A_473] : memref<5x128x128xf32, #tpu.memory_space<vmem>> -> memref<1x128x128xf32, #tpu.memory_space<vmem>>
        %dma_wait3A_475 = tpu.memref_squeeze %dma_wait3A_474 : memref<1x128x128xf32, #tpu.memory_space<vmem>> -> memref<128x128xf32, #tpu.memory_space<vmem>>
        %dma_wait3A_476 = arith.constant 0 : i32
        %dma_wait3A_477 = tpu.memref_slice %arg4[%dma_wait3A_471, %mul3A_2, %dma_wait3A_476] : memref<50x4096x128xf32, #tpu.memory_space<hbm>> -> memref<1x128x128xf32, #tpu.memory_space<hbm>>
        %dma_wait3A_478 = tpu.memref_squeeze %dma_wait3A_477 : memref<1x128x128xf32, #tpu.memory_space<hbm>> -> memref<128x128xf32, #tpu.memory_space<hbm>>
        %dma_wait3A_479 = arith.constant 0 : i32
        %dma_wait3A_480 = tpu.memref_slice %arg4[%dma_wait3A_471, %mul3A_2, %dma_wait3A_479] : memref<50x4096x128xf32, #tpu.memory_space<hbm>> -> memref<1x128x128xf32, #tpu.memory_space<hbm>>
        %dma_wait3A_481 = tpu.memref_squeeze %dma_wait3A_480 : memref<1x128x128xf32, #tpu.memory_space<hbm>> -> memref<128x128xf32, #tpu.memory_space<hbm>>
        %dma_wait3A_482 = arith.constant 0 : i32
        %dma_wait3A_483 = arith.constant 0 : i32
        %dma_wait3A_484 = tpu.memref_slice %arg6[%dma_wait3A_470, %dma_wait3A_482, %dma_wait3A_483] : memref<5x128x128xf32, #tpu.memory_space<vmem>> -> memref<1x128x128xf32, #tpu.memory_space<vmem>>
        %dma_wait3A_485 = tpu.memref_squeeze %dma_wait3A_484 : memref<1x128x128xf32, #tpu.memory_space<vmem>> -> memref<128x128xf32, #tpu.memory_space<vmem>>
        tpu.wait_dma2 semaphore(%arg11 : memref<!tpu.dma_semaphore, #tpu.memory_space<semaphore_mem>>) src(%dma_wait3A_485 : memref<128x128xf32, #tpu.memory_space<vmem>>) dst(%dma_wait3A_481 : memref<128x128xf32, #tpu.memory_space<hbm>>)
      } else {
      }
      %dma_start3A_261 = arith.constant 3 : i32
      %dma_start3A_262 = arith.constant 0 : i32
      %dma_start3A_263 = arith.constant 0 : i32
      %dma_start3A_264 = tpu.memref_slice %arg6[%dma_start3A_261, %dma_start3A_262, %dma_start3A_263] : memref<5x128x128xf32, #tpu.memory_space<vmem>> -> memref<1x128x128xf32, #tpu.memory_space<vmem>>
      %dma_start3A_265 = tpu.memref_squeeze %dma_start3A_264 : memref<1x128x128xf32, #tpu.memory_space<vmem>> -> memref<128x128xf32, #tpu.memory_space<vmem>>
      %dma_start3A_266 = arith.constant 0 : i32
      %dma_start3A_267 = tpu.memref_slice %arg5[%add3A_255, %dma_start3A_266] : memref<50x128xi32, #tpu.memory_space<vmem>> -> memref<1x128xi32, #tpu.memory_space<vmem>>
      %dma_start3A_268 = tpu.memref_squeeze %dma_start3A_267 : memref<1x128xi32, #tpu.memory_space<vmem>> -> memref<128xi32, #tpu.memory_space<vmem>>
      %dma_start3A_269 = arith.constant 0 : i32
      %dma_start3A_270 = arith.constant 0 : i32
      %dma_start3A_271 = tpu.memref_slice %arg2[%dma_start3A_269, %dma_start3A_270] : memref<100000x128xf32, #tpu.memory_space<hbm>> -> memref<100000x128xf32, #tpu.memory_space<hbm>>
      tpu.enqueue_indirect_dma source(%dma_start3A_271 : memref<100000x128xf32, #tpu.memory_space<hbm>>) target(%dma_start3A_265 : memref<128x128xf32, #tpu.memory_space<vmem>>) offsets(%dma_start3A_268 : memref<128xi32, #tpu.memory_space<vmem>>) semaphore(%arg7 : memref<!tpu.dma_semaphore, #tpu.memory_space<semaphore_mem>>)
      %dma_wait3A_272 = arith.constant 2 : i32
      %dma_wait3A_273 = arith.constant 0 : i32
      %dma_wait3A_274 = arith.constant 0 : i32
      %dma_wait3A_275 = tpu.memref_slice %arg6[%dma_wait3A_272, %dma_wait3A_273, %dma_wait3A_274] : memref<5x128x128xf32, #tpu.memory_space<vmem>> -> memref<1x128x128xf32, #tpu.memory_space<vmem>>
      %dma_wait3A_276 = tpu.memref_squeeze %dma_wait3A_275 : memref<1x128x128xf32, #tpu.memory_space<vmem>> -> memref<128x128xf32, #tpu.memory_space<vmem>>
      %dma_wait3A_277 = arith.constant 0 : i32
      %dma_wait3A_278 = tpu.memref_slice %arg5[%add3A_177, %dma_wait3A_277] : memref<50x128xi32, #tpu.memory_space<vmem>> -> memref<1x128xi32, #tpu.memory_space<vmem>>
      %dma_wait3A_279 = tpu.memref_squeeze %dma_wait3A_278 : memref<1x128xi32, #tpu.memory_space<vmem>> -> memref<128xi32, #tpu.memory_space<vmem>>
      %dma_wait3A_280 = arith.constant 0 : i32
      %dma_wait3A_281 = arith.constant 0 : i32
      %dma_wait3A_282 = tpu.memref_slice %arg2[%dma_wait3A_280, %dma_wait3A_281] : memref<100000x128xf32, #tpu.memory_space<hbm>> -> memref<100000x128xf32, #tpu.memory_space<hbm>>
      tpu.wait_indirect_dma semaphore(%arg7 : memref<!tpu.dma_semaphore, #tpu.memory_space<semaphore_mem>>) src(%dma_wait3A_282 : memref<100000x128xf32, #tpu.memory_space<hbm>>) dst(%dma_wait3A_276 : memref<128x128xf32, #tpu.memory_space<vmem>>)
      %sub3A_283 = arith.constant 1 : i32
      %sub3A_284 = arith.subi %add3A_255, %sub3A_283 : i32
      %jit3A_285 = arith.constant 1 : i32
      %div3A_286 = arith.divsi %sub3A_284, %jit3A_285 : i32
      %sign3A_287 = arith.constant 0 : i32
      %sign3A_288 = arith.cmpi sgt, %sub3A_284, %sign3A_287 : i32
      %sign3A_289 = arith.extui %sign3A_288 : i1 to i32
      %sign3A_290 = arith.constant 0 : i32
      %sign3A_291 = arith.cmpi slt, %sub3A_284, %sign3A_290 : i32
      %sign3A_292 = arith.extui %sign3A_291 : i1 to i32
      %sign3A_293 = arith.subi %sign3A_289, %sign3A_292 : i32
      %sign3A_294 = arith.constant 0 : i32
      %sign3A_295 = arith.cmpi sgt, %jit3A_285, %sign3A_294 : i32
      %sign3A_296 = arith.extui %sign3A_295 : i1 to i32
      %sign3A_297 = arith.constant 0 : i32
      %sign3A_298 = arith.cmpi slt, %jit3A_285, %sign3A_297 : i32
      %sign3A_299 = arith.extui %sign3A_298 : i1 to i32
      %sign3A_300 = arith.subi %sign3A_296, %sign3A_299 : i32
      %ne3A_301 = arith.cmpi ne, %sign3A_293, %sign3A_300 : i32
      %rem3A_302 = arith.remsi %sub3A_284, %jit3A_285 : i32
      %ne3A_303 = arith.constant 0 : i32
      %ne3A_304 = arith.cmpi ne, %rem3A_302, %ne3A_303 : i32
      %and3A_305 = arith.andi %ne3A_301, %ne3A_304 : i1
      %sub3A_306 = arith.constant 1 : i32
      %sub3A_307 = arith.subi %div3A_286, %sub3A_306 : i32
      %select_n3A_308 = arith.select %and3A_305, %sub3A_307, %div3A_286 : i32
      %mul3A_309 = arith.constant 1 : i32
      %mul3A_310 = arith.muli %select_n3A_308, %mul3A_309 : i32
      %sub3A_311 = arith.subi %sub3A_284, %mul3A_310 : i32
      %mul3A_312 = arith.constant 128 : i32
      %mul3A_313 = arith.muli %sub3A_311, %mul3A_312 : i32
      %add3A_314 = arith.addi %mul3A_2, %mul3A_313 : i32
      %dma_start3A_315 = arith.constant 2 : i32
      %dma_start3A_316 = arith.constant 0 : i32
      %dma_start3A_317 = arith.constant 0 : i32
      %dma_start3A_318 = tpu.memref_slice %arg6[%dma_start3A_315, %dma_start3A_316, %dma_start3A_317] : memref<5x128x128xf32, #tpu.memory_space<vmem>> -> memref<1x128x128xf32, #tpu.memory_space<vmem>>
      %dma_start3A_319 = tpu.memref_squeeze %dma_start3A_318 : memref<1x128x128xf32, #tpu.memory_space<vmem>> -> memref<128x128xf32, #tpu.memory_space<vmem>>
      %dma_start3A_320 = arith.constant 0 : i32
      %dma_start3A_321 = tpu.memref_slice %arg4[%select_n3A_308, %add3A_314, %dma_start3A_320] : memref<50x4096x128xf32, #tpu.memory_space<hbm>> -> memref<1x128x128xf32, #tpu.memory_space<hbm>>
      %dma_start3A_322 = tpu.memref_squeeze %dma_start3A_321 : memref<1x128x128xf32, #tpu.memory_space<hbm>> -> memref<128x128xf32, #tpu.memory_space<hbm>>
      %dma_start3A_323 = arith.constant 0 : i32
      %dma_start3A_324 = tpu.memref_slice %arg4[%select_n3A_308, %add3A_314, %dma_start3A_323] : memref<50x4096x128xf32, #tpu.memory_space<hbm>> -> memref<1x128x128xf32, #tpu.memory_space<hbm>>
      %dma_start3A_325 = tpu.memref_squeeze %dma_start3A_324 : memref<1x128x128xf32, #tpu.memory_space<hbm>> -> memref<128x128xf32, #tpu.memory_space<hbm>>
      %dma_start3A_326 = arith.constant 0 : i32
      %dma_start3A_327 = arith.constant 0 : i32
      %dma_start3A_328 = tpu.memref_slice %arg6[%dma_start3A_315, %dma_start3A_326, %dma_start3A_327] : memref<5x128x128xf32, #tpu.memory_space<vmem>> -> memref<1x128x128xf32, #tpu.memory_space<vmem>>
      %dma_start3A_329 = tpu.memref_squeeze %dma_start3A_328 : memref<1x128x128xf32, #tpu.memory_space<vmem>> -> memref<128x128xf32, #tpu.memory_space<vmem>>
      tpu.enqueue_dma source(%dma_start3A_329 : memref<128x128xf32, #tpu.memory_space<vmem>>) target(%dma_start3A_325 : memref<128x128xf32, #tpu.memory_space<hbm>>) target_semaphore(%arg10 : memref<!tpu.dma_semaphore, #tpu.memory_space<semaphore_mem>>)
      %mul3A_330 = arith.constant 5 : i32
      %mul3A_331 = arith.muli %scan3A_87, %mul3A_330 : i32
      %add3A_332 = arith.constant 4 : i32
      %add3A_333 = arith.addi %mul3A_331, %add3A_332 : i32
      %gt3A_334 = arith.constant 0 : i32
      %gt3A_335 = arith.cmpi sgt, %scan3A_87, %gt3A_334 : i32
      %convert_element_type3A_336 = arith.extui %gt3A_335 : i1 to i32
      %cond3A_337 = arith.constant 0 : i32
      %cond3A_338 = arith.cmpi ne, %convert_element_type3A_336, %cond3A_337 : i32
      scf.if %cond3A_338 {
        %dma_wait3A_470 = arith.constant 4 : i32
        %dma_wait3A_471 = arith.constant 0 : i32
        %dma_wait3A_472 = arith.constant 0 : i32
        %dma_wait3A_473 = arith.constant 0 : i32
        %dma_wait3A_474 = tpu.memref_slice %arg6[%dma_wait3A_470, %dma_wait3A_472, %dma_wait3A_473] : memref<5x128x128xf32, #tpu.memory_space<vmem>> -> memref<1x128x128xf32, #tpu.memory_space<vmem>>
        %dma_wait3A_475 = tpu.memref_squeeze %dma_wait3A_474 : memref<1x128x128xf32, #tpu.memory_space<vmem>> -> memref<128x128xf32, #tpu.memory_space<vmem>>
        %dma_wait3A_476 = arith.constant 0 : i32
        %dma_wait3A_477 = tpu.memref_slice %arg4[%dma_wait3A_471, %mul3A_2, %dma_wait3A_476] : memref<50x4096x128xf32, #tpu.memory_space<hbm>> -> memref<1x128x128xf32, #tpu.memory_space<hbm>>
        %dma_wait3A_478 = tpu.memref_squeeze %dma_wait3A_477 : memref<1x128x128xf32, #tpu.memory_space<hbm>> -> memref<128x128xf32, #tpu.memory_space<hbm>>
        %dma_wait3A_479 = arith.constant 0 : i32
        %dma_wait3A_480 = tpu.memref_slice %arg4[%dma_wait3A_471, %mul3A_2, %dma_wait3A_479] : memref<50x4096x128xf32, #tpu.memory_space<hbm>> -> memref<1x128x128xf32, #tpu.memory_space<hbm>>
        %dma_wait3A_481 = tpu.memref_squeeze %dma_wait3A_480 : memref<1x128x128xf32, #tpu.memory_space<hbm>> -> memref<128x128xf32, #tpu.memory_space<hbm>>
        %dma_wait3A_482 = arith.constant 0 : i32
        %dma_wait3A_483 = arith.constant 0 : i32
        %dma_wait3A_484 = tpu.memref_slice %arg6[%dma_wait3A_470, %dma_wait3A_482, %dma_wait3A_483] : memref<5x128x128xf32, #tpu.memory_space<vmem>> -> memref<1x128x128xf32, #tpu.memory_space<vmem>>
        %dma_wait3A_485 = tpu.memref_squeeze %dma_wait3A_484 : memref<1x128x128xf32, #tpu.memory_space<vmem>> -> memref<128x128xf32, #tpu.memory_space<vmem>>
        tpu.wait_dma2 semaphore(%arg12 : memref<!tpu.dma_semaphore, #tpu.memory_space<semaphore_mem>>) src(%dma_wait3A_485 : memref<128x128xf32, #tpu.memory_space<vmem>>) dst(%dma_wait3A_481 : memref<128x128xf32, #tpu.memory_space<hbm>>)
      } else {
      }
      %dma_start3A_339 = arith.constant 4 : i32
      %dma_start3A_340 = arith.constant 0 : i32
      %dma_start3A_341 = arith.constant 0 : i32
      %dma_start3A_342 = tpu.memref_slice %arg6[%dma_start3A_339, %dma_start3A_340, %dma_start3A_341] : memref<5x128x128xf32, #tpu.memory_space<vmem>> -> memref<1x128x128xf32, #tpu.memory_space<vmem>>
      %dma_start3A_343 = tpu.memref_squeeze %dma_start3A_342 : memref<1x128x128xf32, #tpu.memory_space<vmem>> -> memref<128x128xf32, #tpu.memory_space<vmem>>
      %dma_start3A_344 = arith.constant 0 : i32
      %dma_start3A_345 = tpu.memref_slice %arg5[%add3A_333, %dma_start3A_344] : memref<50x128xi32, #tpu.memory_space<vmem>> -> memref<1x128xi32, #tpu.memory_space<vmem>>
      %dma_start3A_346 = tpu.memref_squeeze %dma_start3A_345 : memref<1x128xi32, #tpu.memory_space<vmem>> -> memref<128xi32, #tpu.memory_space<vmem>>
      %dma_start3A_347 = arith.constant 0 : i32
      %dma_start3A_348 = arith.constant 0 : i32
      %dma_start3A_349 = tpu.memref_slice %arg2[%dma_start3A_347, %dma_start3A_348] : memref<100000x128xf32, #tpu.memory_space<hbm>> -> memref<100000x128xf32, #tpu.memory_space<hbm>>
      tpu.enqueue_indirect_dma source(%dma_start3A_349 : memref<100000x128xf32, #tpu.memory_space<hbm>>) target(%dma_start3A_343 : memref<128x128xf32, #tpu.memory_space<vmem>>) offsets(%dma_start3A_346 : memref<128xi32, #tpu.memory_space<vmem>>) semaphore(%arg7 : memref<!tpu.dma_semaphore, #tpu.memory_space<semaphore_mem>>)
      %dma_wait3A_350 = arith.constant 3 : i32
      %dma_wait3A_351 = arith.constant 0 : i32
      %dma_wait3A_352 = arith.constant 0 : i32
      %dma_wait3A_353 = tpu.memref_slice %arg6[%dma_wait3A_350, %dma_wait3A_351, %dma_wait3A_352] : memref<5x128x128xf32, #tpu.memory_space<vmem>> -> memref<1x128x128xf32, #tpu.memory_space<vmem>>
      %dma_wait3A_354 = tpu.memref_squeeze %dma_wait3A_353 : memref<1x128x128xf32, #tpu.memory_space<vmem>> -> memref<128x128xf32, #tpu.memory_space<vmem>>
      %dma_wait3A_355 = arith.constant 0 : i32
      %dma_wait3A_356 = tpu.memref_slice %arg5[%add3A_255, %dma_wait3A_355] : memref<50x128xi32, #tpu.memory_space<vmem>> -> memref<1x128xi32, #tpu.memory_space<vmem>>
      %dma_wait3A_357 = tpu.memref_squeeze %dma_wait3A_356 : memref<1x128xi32, #tpu.memory_space<vmem>> -> memref<128xi32, #tpu.memory_space<vmem>>
      %dma_wait3A_358 = arith.constant 0 : i32
      %dma_wait3A_359 = arith.constant 0 : i32
      %dma_wait3A_360 = tpu.memref_slice %arg2[%dma_wait3A_358, %dma_wait3A_359] : memref<100000x128xf32, #tpu.memory_space<hbm>> -> memref<100000x128xf32, #tpu.memory_space<hbm>>
      tpu.wait_indirect_dma semaphore(%arg7 : memref<!tpu.dma_semaphore, #tpu.memory_space<semaphore_mem>>) src(%dma_wait3A_360 : memref<100000x128xf32, #tpu.memory_space<hbm>>) dst(%dma_wait3A_354 : memref<128x128xf32, #tpu.memory_space<vmem>>)
      %sub3A_361 = arith.constant 1 : i32
      %sub3A_362 = arith.subi %add3A_333, %sub3A_361 : i32
      %jit3A_363 = arith.constant 1 : i32
      %div3A_364 = arith.divsi %sub3A_362, %jit3A_363 : i32
      %sign3A_365 = arith.constant 0 : i32
      %sign3A_366 = arith.cmpi sgt, %sub3A_362, %sign3A_365 : i32
      %sign3A_367 = arith.extui %sign3A_366 : i1 to i32
      %sign3A_368 = arith.constant 0 : i32
      %sign3A_369 = arith.cmpi slt, %sub3A_362, %sign3A_368 : i32
      %sign3A_370 = arith.extui %sign3A_369 : i1 to i32
      %sign3A_371 = arith.subi %sign3A_367, %sign3A_370 : i32
      %sign3A_372 = arith.constant 0 : i32
      %sign3A_373 = arith.cmpi sgt, %jit3A_363, %sign3A_372 : i32
      %sign3A_374 = arith.extui %sign3A_373 : i1 to i32
      %sign3A_375 = arith.constant 0 : i32
      %sign3A_376 = arith.cmpi slt, %jit3A_363, %sign3A_375 : i32
      %sign3A_377 = arith.extui %sign3A_376 : i1 to i32
      %sign3A_378 = arith.subi %sign3A_374, %sign3A_377 : i32
      %ne3A_379 = arith.cmpi ne, %sign3A_371, %sign3A_378 : i32
      %rem3A_380 = arith.remsi %sub3A_362, %jit3A_363 : i32
      %ne3A_381 = arith.constant 0 : i32
      %ne3A_382 = arith.cmpi ne, %rem3A_380, %ne3A_381 : i32
      %and3A_383 = arith.andi %ne3A_379, %ne3A_382 : i1
      %sub3A_384 = arith.constant 1 : i32
      %sub3A_385 = arith.subi %div3A_364, %sub3A_384 : i32
      %select_n3A_386 = arith.select %and3A_383, %sub3A_385, %div3A_364 : i32
      %mul3A_387 = arith.constant 1 : i32
      %mul3A_388 = arith.muli %select_n3A_386, %mul3A_387 : i32
      %sub3A_389 = arith.subi %sub3A_362, %mul3A_388 : i32
      %mul3A_390 = arith.constant 128 : i32
      %mul3A_391 = arith.muli %sub3A_389, %mul3A_390 : i32
      %add3A_392 = arith.addi %mul3A_2, %mul3A_391 : i32
      %dma_start3A_393 = arith.constant 3 : i32
      %dma_start3A_394 = arith.constant 0 : i32
      %dma_start3A_395 = arith.constant 0 : i32
      %dma_start3A_396 = tpu.memref_slice %arg6[%dma_start3A_393, %dma_start3A_394, %dma_start3A_395] : memref<5x128x128xf32, #tpu.memory_space<vmem>> -> memref<1x128x128xf32, #tpu.memory_space<vmem>>
      %dma_start3A_397 = tpu.memref_squeeze %dma_start3A_396 : memref<1x128x128xf32, #tpu.memory_space<vmem>> -> memref<128x128xf32, #tpu.memory_space<vmem>>
      %dma_start3A_398 = arith.constant 0 : i32
      %dma_start3A_399 = tpu.memref_slice %arg4[%select_n3A_386, %add3A_392, %dma_start3A_398] : memref<50x4096x128xf32, #tpu.memory_space<hbm>> -> memref<1x128x128xf32, #tpu.memory_space<hbm>>
      %dma_start3A_400 = tpu.memref_squeeze %dma_start3A_399 : memref<1x128x128xf32, #tpu.memory_space<hbm>> -> memref<128x128xf32, #tpu.memory_space<hbm>>
      %dma_start3A_401 = arith.constant 0 : i32
      %dma_start3A_402 = tpu.memref_slice %arg4[%select_n3A_386, %add3A_392, %dma_start3A_401] : memref<50x4096x128xf32, #tpu.memory_space<hbm>> -> memref<1x128x128xf32, #tpu.memory_space<hbm>>
      %dma_start3A_403 = tpu.memref_squeeze %dma_start3A_402 : memref<1x128x128xf32, #tpu.memory_space<hbm>> -> memref<128x128xf32, #tpu.memory_space<hbm>>
      %dma_start3A_404 = arith.constant 0 : i32
      %dma_start3A_405 = arith.constant 0 : i32
      %dma_start3A_406 = tpu.memref_slice %arg6[%dma_start3A_393, %dma_start3A_404, %dma_start3A_405] : memref<5x128x128xf32, #tpu.memory_space<vmem>> -> memref<1x128x128xf32, #tpu.memory_space<vmem>>
      %dma_start3A_407 = tpu.memref_squeeze %dma_start3A_406 : memref<1x128x128xf32, #tpu.memory_space<vmem>> -> memref<128x128xf32, #tpu.memory_space<vmem>>
      tpu.enqueue_dma source(%dma_start3A_407 : memref<128x128xf32, #tpu.memory_space<vmem>>) target(%dma_start3A_403 : memref<128x128xf32, #tpu.memory_space<hbm>>) target_semaphore(%arg11 : memref<!tpu.dma_semaphore, #tpu.memory_space<semaphore_mem>>)
      %dma_wait3A_408 = arith.constant 4 : i32
      %dma_wait3A_409 = arith.constant 0 : i32
      %dma_wait3A_410 = arith.constant 0 : i32
      %dma_wait3A_411 = tpu.memref_slice %arg6[%dma_wait3A_408, %dma_wait3A_409, %dma_wait3A_410] : memref<5x128x128xf32, #tpu.memory_space<vmem>> -> memref<1x128x128xf32, #tpu.memory_space<vmem>>
      %dma_wait3A_412 = tpu.memref_squeeze %dma_wait3A_411 : memref<1x128x128xf32, #tpu.memory_space<vmem>> -> memref<128x128xf32, #tpu.memory_space<vmem>>
      %dma_wait3A_413 = arith.constant 0 : i32
      %dma_wait3A_414 = tpu.memref_slice %arg5[%add3A_333, %dma_wait3A_413] : memref<50x128xi32, #tpu.memory_space<vmem>> -> memref<1x128xi32, #tpu.memory_space<vmem>>
      %dma_wait3A_415 = tpu.memref_squeeze %dma_wait3A_414 : memref<1x128xi32, #tpu.memory_space<vmem>> -> memref<128xi32, #tpu.memory_space<vmem>>
      %dma_wait3A_416 = arith.constant 0 : i32
      %dma_wait3A_417 = arith.constant 0 : i32
      %dma_wait3A_418 = tpu.memref_slice %arg2[%dma_wait3A_416, %dma_wait3A_417] : memref<100000x128xf32, #tpu.memory_space<hbm>> -> memref<100000x128xf32, #tpu.memory_space<hbm>>
      tpu.wait_indirect_dma semaphore(%arg7 : memref<!tpu.dma_semaphore, #tpu.memory_space<semaphore_mem>>) src(%dma_wait3A_418 : memref<100000x128xf32, #tpu.memory_space<hbm>>) dst(%dma_wait3A_412 : memref<128x128xf32, #tpu.memory_space<vmem>>)
      %mul3A_419 = arith.constant 5 : i32
      %mul3A_420 = arith.muli %scan3A_87, %mul3A_419 : i32
      %add3A_421 = arith.constant 5 : i32
      %add3A_422 = arith.addi %mul3A_420, %add3A_421 : i32
      %sub3A_423 = arith.constant 1 : i32
      %sub3A_424 = arith.subi %add3A_422, %sub3A_423 : i32
      %jit3A_425 = arith.constant 1 : i32
      %div3A_426 = arith.divsi %sub3A_424, %jit3A_425 : i32
      %sign3A_427 = arith.constant 0 : i32
      %sign3A_428 = arith.cmpi sgt, %sub3A_424, %sign3A_427 : i32
      %sign3A_429 = arith.extui %sign3A_428 : i1 to i32
      %sign3A_430 = arith.constant 0 : i32
      %sign3A_431 = arith.cmpi slt, %sub3A_424, %sign3A_430 : i32
      %sign3A_432 = arith.extui %sign3A_431 : i1 to i32
      %sign3A_433 = arith.subi %sign3A_429, %sign3A_432 : i32
      %sign3A_434 = arith.constant 0 : i32
      %sign3A_435 = arith.cmpi sgt, %jit3A_425, %sign3A_434 : i32
      %sign3A_436 = arith.extui %sign3A_435 : i1 to i32
      %sign3A_437 = arith.constant 0 : i32
      %sign3A_438 = arith.cmpi slt, %jit3A_425, %sign3A_437 : i32
      %sign3A_439 = arith.extui %sign3A_438 : i1 to i32
      %sign3A_440 = arith.subi %sign3A_436, %sign3A_439 : i32
      %ne3A_441 = arith.cmpi ne, %sign3A_433, %sign3A_440 : i32
      %rem3A_442 = arith.remsi %sub3A_424, %jit3A_425 : i32
      %ne3A_443 = arith.constant 0 : i32
      %ne3A_444 = arith.cmpi ne, %rem3A_442, %ne3A_443 : i32
      %and3A_445 = arith.andi %ne3A_441, %ne3A_444 : i1
      %sub3A_446 = arith.constant 1 : i32
      %sub3A_447 = arith.subi %div3A_426, %sub3A_446 : i32
      %select_n3A_448 = arith.select %and3A_445, %sub3A_447, %div3A_426 : i32
      %mul3A_449 = arith.constant 1 : i32
      %mul3A_450 = arith.muli %select_n3A_448, %mul3A_449 : i32
      %sub3A_451 = arith.subi %sub3A_424, %mul3A_450 : i32
      %mul3A_452 = arith.constant 128 : i32
      %mul3A_453 = arith.muli %sub3A_451, %mul3A_452 : i32
      %add3A_454 = arith.addi %mul3A_2, %mul3A_453 : i32
      %dma_start3A_455 = arith.constant 4 : i32
      %dma_start3A_456 = arith.constant 0 : i32
      %dma_start3A_457 = arith.constant 0 : i32
      %dma_start3A_458 = tpu.memref_slice %arg6[%dma_start3A_455, %dma_start3A_456, %dma_start3A_457] : memref<5x128x128xf32, #tpu.memory_space<vmem>> -> memref<1x128x128xf32, #tpu.memory_space<vmem>>
      %dma_start3A_459 = tpu.memref_squeeze %dma_start3A_458 : memref<1x128x128xf32, #tpu.memory_space<vmem>> -> memref<128x128xf32, #tpu.memory_space<vmem>>
      %dma_start3A_460 = arith.constant 0 : i32
      %dma_start3A_461 = tpu.memref_slice %arg4[%select_n3A_448, %add3A_454, %dma_start3A_460] : memref<50x4096x128xf32, #tpu.memory_space<hbm>> -> memref<1x128x128xf32, #tpu.memory_space<hbm>>
      %dma_start3A_462 = tpu.memref_squeeze %dma_start3A_461 : memref<1x128x128xf32, #tpu.memory_space<hbm>> -> memref<128x128xf32, #tpu.memory_space<hbm>>
      %dma_start3A_463 = arith.constant 0 : i32
      %dma_start3A_464 = tpu.memref_slice %arg4[%select_n3A_448, %add3A_454, %dma_start3A_463] : memref<50x4096x128xf32, #tpu.memory_space<hbm>> -> memref<1x128x128xf32, #tpu.memory_space<hbm>>
      %dma_start3A_465 = tpu.memref_squeeze %dma_start3A_464 : memref<1x128x128xf32, #tpu.memory_space<hbm>> -> memref<128x128xf32, #tpu.memory_space<hbm>>
      %dma_start3A_466 = arith.constant 0 : i32
      %dma_start3A_467 = arith.constant 0 : i32
      %dma_start3A_468 = tpu.memref_slice %arg6[%dma_start3A_455, %dma_start3A_466, %dma_start3A_467] : memref<5x128x128xf32, #tpu.memory_space<vmem>> -> memref<1x128x128xf32, #tpu.memory_space<vmem>>
      %dma_start3A_469 = tpu.memref_squeeze %dma_start3A_468 : memref<1x128x128xf32, #tpu.memory_space<vmem>> -> memref<128x128xf32, #tpu.memory_space<vmem>>
      tpu.enqueue_dma source(%dma_start3A_469 : memref<128x128xf32, #tpu.memory_space<vmem>>) target(%dma_start3A_465 : memref<128x128xf32, #tpu.memory_space<hbm>>) target_semaphore(%arg12 : memref<!tpu.dma_semaphore, #tpu.memory_space<semaphore_mem>>)
    }
    %scan3A_7 = arith.constant 10 : i32
    %dma_wait3A = arith.constant 0 : i32
    %dma_wait3A_8 = arith.constant 0 : i32
    %dma_wait3A_9 = arith.constant 0 : i32
    %dma_wait3A_10 = arith.constant 0 : i32
    %dma_wait3A_11 = tpu.memref_slice %arg6[%dma_wait3A, %dma_wait3A_9, %dma_wait3A_10] : memref<5x128x128xf32, #tpu.memory_space<vmem>> -> memref<1x128x128xf32, #tpu.memory_space<vmem>>
    %dma_wait3A_12 = tpu.memref_squeeze %dma_wait3A_11 : memref<1x128x128xf32, #tpu.memory_space<vmem>> -> memref<128x128xf32, #tpu.memory_space<vmem>>
    %dma_wait3A_13 = arith.constant 0 : i32
    %dma_wait3A_14 = tpu.memref_slice %arg4[%dma_wait3A_8, %mul3A_2, %dma_wait3A_13] : memref<50x4096x128xf32, #tpu.memory_space<hbm>> -> memref<1x128x128xf32, #tpu.memory_space<hbm>>
    %dma_wait3A_15 = tpu.memref_squeeze %dma_wait3A_14 : memref<1x128x128xf32, #tpu.memory_space<hbm>> -> memref<128x128xf32, #tpu.memory_space<hbm>>
    %dma_wait3A_16 = arith.constant 0 : i32
    %dma_wait3A_17 = tpu.memref_slice %arg4[%dma_wait3A_8, %mul3A_2, %dma_wait3A_16] : memref<50x4096x128xf32, #tpu.memory_space<hbm>> -> memref<1x128x128xf32, #tpu.memory_space<hbm>>
    %dma_wait3A_18 = tpu.memref_squeeze %dma_wait3A_17 : memref<1x128x128xf32, #tpu.memory_space<hbm>> -> memref<128x128xf32, #tpu.memory_space<hbm>>
    %dma_wait3A_19 = arith.constant 0 : i32
    %dma_wait3A_20 = arith.constant 0 : i32
    %dma_wait3A_21 = tpu.memref_slice %arg6[%dma_wait3A, %dma_wait3A_19, %dma_wait3A_20] : memref<5x128x128xf32, #tpu.memory_space<vmem>> -> memref<1x128x128xf32, #tpu.memory_space<vmem>>
    %dma_wait3A_22 = tpu.memref_squeeze %dma_wait3A_21 : memref<1x128x128xf32, #tpu.memory_space<vmem>> -> memref<128x128xf32, #tpu.memory_space<vmem>>
    tpu.wait_dma2 semaphore(%arg8 : memref<!tpu.dma_semaphore, #tpu.memory_space<semaphore_mem>>) src(%dma_wait3A_22 : memref<128x128xf32, #tpu.memory_space<vmem>>) dst(%dma_wait3A_18 : memref<128x128xf32, #tpu.memory_space<hbm>>)
    %dma_wait3A_23 = arith.constant 1 : i32
    %dma_wait3A_24 = arith.constant 0 : i32
    %dma_wait3A_25 = arith.constant 0 : i32
    %dma_wait3A_26 = arith.constant 0 : i32
    %dma_wait3A_27 = tpu.memref_slice %arg6[%dma_wait3A_23, %dma_wait3A_25, %dma_wait3A_26] : memref<5x128x128xf32, #tpu.memory_space<vmem>> -> memref<1x128x128xf32, #tpu.memory_space<vmem>>
    %dma_wait3A_28 = tpu.memref_squeeze %dma_wait3A_27 : memref<1x128x128xf32, #tpu.memory_space<vmem>> -> memref<128x128xf32, #tpu.memory_space<vmem>>
    %dma_wait3A_29 = arith.constant 0 : i32
    %dma_wait3A_30 = tpu.memref_slice %arg4[%dma_wait3A_24, %mul3A_2, %dma_wait3A_29] : memref<50x4096x128xf32, #tpu.memory_space<hbm>> -> memref<1x128x128xf32, #tpu.memory_space<hbm>>
    %dma_wait3A_31 = tpu.memref_squeeze %dma_wait3A_30 : memref<1x128x128xf32, #tpu.memory_space<hbm>> -> memref<128x128xf32, #tpu.memory_space<hbm>>
    %dma_wait3A_32 = arith.constant 0 : i32
    %dma_wait3A_33 = tpu.memref_slice %arg4[%dma_wait3A_24, %mul3A_2, %dma_wait3A_32] : memref<50x4096x128xf32, #tpu.memory_space<hbm>> -> memref<1x128x128xf32, #tpu.memory_space<hbm>>
    %dma_wait3A_34 = tpu.memref_squeeze %dma_wait3A_33 : memref<1x128x128xf32, #tpu.memory_space<hbm>> -> memref<128x128xf32, #tpu.memory_space<hbm>>
    %dma_wait3A_35 = arith.constant 0 : i32
    %dma_wait3A_36 = arith.constant 0 : i32
    %dma_wait3A_37 = tpu.memref_slice %arg6[%dma_wait3A_23, %dma_wait3A_35, %dma_wait3A_36] : memref<5x128x128xf32, #tpu.memory_space<vmem>> -> memref<1x128x128xf32, #tpu.memory_space<vmem>>
    %dma_wait3A_38 = tpu.memref_squeeze %dma_wait3A_37 : memref<1x128x128xf32, #tpu.memory_space<vmem>> -> memref<128x128xf32, #tpu.memory_space<vmem>>
    tpu.wait_dma2 semaphore(%arg9 : memref<!tpu.dma_semaphore, #tpu.memory_space<semaphore_mem>>) src(%dma_wait3A_38 : memref<128x128xf32, #tpu.memory_space<vmem>>) dst(%dma_wait3A_34 : memref<128x128xf32, #tpu.memory_space<hbm>>)
    %dma_wait3A_39 = arith.constant 2 : i32
    %dma_wait3A_40 = arith.constant 0 : i32
    %dma_wait3A_41 = arith.constant 0 : i32
    %dma_wait3A_42 = arith.constant 0 : i32
    %dma_wait3A_43 = tpu.memref_slice %arg6[%dma_wait3A_39, %dma_wait3A_41, %dma_wait3A_42] : memref<5x128x128xf32, #tpu.memory_space<vmem>> -> memref<1x128x128xf32, #tpu.memory_space<vmem>>
    %dma_wait3A_44 = tpu.memref_squeeze %dma_wait3A_43 : memref<1x128x128xf32, #tpu.memory_space<vmem>> -> memref<128x128xf32, #tpu.memory_space<vmem>>
    %dma_wait3A_45 = arith.constant 0 : i32
    %dma_wait3A_46 = tpu.memref_slice %arg4[%dma_wait3A_40, %mul3A_2, %dma_wait3A_45] : memref<50x4096x128xf32, #tpu.memory_space<hbm>> -> memref<1x128x128xf32, #tpu.memory_space<hbm>>
    %dma_wait3A_47 = tpu.memref_squeeze %dma_wait3A_46 : memref<1x128x128xf32, #tpu.memory_space<hbm>> -> memref<128x128xf32, #tpu.memory_space<hbm>>
    %dma_wait3A_48 = arith.constant 0 : i32
    %dma_wait3A_49 = tpu.memref_slice %arg4[%dma_wait3A_40, %mul3A_2, %dma_wait3A_48] : memref<50x4096x128xf32, #tpu.memory_space<hbm>> -> memref<1x128x128xf32, #tpu.memory_space<hbm>>
    %dma_wait3A_50 = tpu.memref_squeeze %dma_wait3A_49 : memref<1x128x128xf32, #tpu.memory_space<hbm>> -> memref<128x128xf32, #tpu.memory_space<hbm>>
    %dma_wait3A_51 = arith.constant 0 : i32
    %dma_wait3A_52 = arith.constant 0 : i32
    %dma_wait3A_53 = tpu.memref_slice %arg6[%dma_wait3A_39, %dma_wait3A_51, %dma_wait3A_52] : memref<5x128x128xf32, #tpu.memory_space<vmem>> -> memref<1x128x128xf32, #tpu.memory_space<vmem>>
    %dma_wait3A_54 = tpu.memref_squeeze %dma_wait3A_53 : memref<1x128x128xf32, #tpu.memory_space<vmem>> -> memref<128x128xf32, #tpu.memory_space<vmem>>
    tpu.wait_dma2 semaphore(%arg10 : memref<!tpu.dma_semaphore, #tpu.memory_space<semaphore_mem>>) src(%dma_wait3A_54 : memref<128x128xf32, #tpu.memory_space<vmem>>) dst(%dma_wait3A_50 : memref<128x128xf32, #tpu.memory_space<hbm>>)
    %dma_wait3A_55 = arith.constant 3 : i32
    %dma_wait3A_56 = arith.constant 0 : i32
    %dma_wait3A_57 = arith.constant 0 : i32
    %dma_wait3A_58 = arith.constant 0 : i32
    %dma_wait3A_59 = tpu.memref_slice %arg6[%dma_wait3A_55, %dma_wait3A_57, %dma_wait3A_58] : memref<5x128x128xf32, #tpu.memory_space<vmem>> -> memref<1x128x128xf32, #tpu.memory_space<vmem>>
    %dma_wait3A_60 = tpu.memref_squeeze %dma_wait3A_59 : memref<1x128x128xf32, #tpu.memory_space<vmem>> -> memref<128x128xf32, #tpu.memory_space<vmem>>
    %dma_wait3A_61 = arith.constant 0 : i32
    %dma_wait3A_62 = tpu.memref_slice %arg4[%dma_wait3A_56, %mul3A_2, %dma_wait3A_61] : memref<50x4096x128xf32, #tpu.memory_space<hbm>> -> memref<1x128x128xf32, #tpu.memory_space<hbm>>
    %dma_wait3A_63 = tpu.memref_squeeze %dma_wait3A_62 : memref<1x128x128xf32, #tpu.memory_space<hbm>> -> memref<128x128xf32, #tpu.memory_space<hbm>>
    %dma_wait3A_64 = arith.constant 0 : i32
    %dma_wait3A_65 = tpu.memref_slice %arg4[%dma_wait3A_56, %mul3A_2, %dma_wait3A_64] : memref<50x4096x128xf32, #tpu.memory_space<hbm>> -> memref<1x128x128xf32, #tpu.memory_space<hbm>>
    %dma_wait3A_66 = tpu.memref_squeeze %dma_wait3A_65 : memref<1x128x128xf32, #tpu.memory_space<hbm>> -> memref<128x128xf32, #tpu.memory_space<hbm>>
    %dma_wait3A_67 = arith.constant 0 : i32
    %dma_wait3A_68 = arith.constant 0 : i32
    %dma_wait3A_69 = tpu.memref_slice %arg6[%dma_wait3A_55, %dma_wait3A_67, %dma_wait3A_68] : memref<5x128x128xf32, #tpu.memory_space<vmem>> -> memref<1x128x128xf32, #tpu.memory_space<vmem>>
    %dma_wait3A_70 = tpu.memref_squeeze %dma_wait3A_69 : memref<1x128x128xf32, #tpu.memory_space<vmem>> -> memref<128x128xf32, #tpu.memory_space<vmem>>
    tpu.wait_dma2 semaphore(%arg11 : memref<!tpu.dma_semaphore, #tpu.memory_space<semaphore_mem>>) src(%dma_wait3A_70 : memref<128x128xf32, #tpu.memory_space<vmem>>) dst(%dma_wait3A_66 : memref<128x128xf32, #tpu.memory_space<hbm>>)
    %dma_wait3A_71 = arith.constant 4 : i32
    %dma_wait3A_72 = arith.constant 0 : i32
    %dma_wait3A_73 = arith.constant 0 : i32
    %dma_wait3A_74 = arith.constant 0 : i32
    %dma_wait3A_75 = tpu.memref_slice %arg6[%dma_wait3A_71, %dma_wait3A_73, %dma_wait3A_74] : memref<5x128x128xf32, #tpu.memory_space<vmem>> -> memref<1x128x128xf32, #tpu.memory_space<vmem>>
    %dma_wait3A_76 = tpu.memref_squeeze %dma_wait3A_75 : memref<1x128x128xf32, #tpu.memory_space<vmem>> -> memref<128x128xf32, #tpu.memory_space<vmem>>
    %dma_wait3A_77 = arith.constant 0 : i32
    %dma_wait3A_78 = tpu.memref_slice %arg4[%dma_wait3A_72, %mul3A_2, %dma_wait3A_77] : memref<50x4096x128xf32, #tpu.memory_space<hbm>> -> memref<1x128x128xf32, #tpu.memory_space<hbm>>
    %dma_wait3A_79 = tpu.memref_squeeze %dma_wait3A_78 : memref<1x128x128xf32, #tpu.memory_space<hbm>> -> memref<128x128xf32, #tpu.memory_space<hbm>>
    %dma_wait3A_80 = arith.constant 0 : i32
    %dma_wait3A_81 = tpu.memref_slice %arg4[%dma_wait3A_72, %mul3A_2, %dma_wait3A_80] : memref<50x4096x128xf32, #tpu.memory_space<hbm>> -> memref<1x128x128xf32, #tpu.memory_space<hbm>>
    %dma_wait3A_82 = tpu.memref_squeeze %dma_wait3A_81 : memref<1x128x128xf32, #tpu.memory_space<hbm>> -> memref<128x128xf32, #tpu.memory_space<hbm>>
    %dma_wait3A_83 = arith.constant 0 : i32
    %dma_wait3A_84 = arith.constant 0 : i32
    %dma_wait3A_85 = tpu.memref_slice %arg6[%dma_wait3A_71, %dma_wait3A_83, %dma_wait3A_84] : memref<5x128x128xf32, #tpu.memory_space<vmem>> -> memref<1x128x128xf32, #tpu.memory_space<vmem>>
    %dma_wait3A_86 = tpu.memref_squeeze %dma_wait3A_85 : memref<1x128x128xf32, #tpu.memory_space<vmem>> -> memref<128x128xf32, #tpu.memory_space<vmem>>
    tpu.wait_dma2 semaphore(%arg12 : memref<!tpu.dma_semaphore, #tpu.memory_space<semaphore_mem>>) src(%dma_wait3A_86 : memref<128x128xf32, #tpu.memory_space<vmem>>) dst(%dma_wait3A_82 : memref<128x128xf32, #tpu.memory_space<hbm>>)
    return
  }
}

</mosaic_0001>

<sc_bundles>
// kernel: kernel.3.cloned.1.call-start
scs
__scs_entry_jumppad:
0x0: {  	(pc) =	sbr.rel $0x88, $3  }
0x1: {  	(tag) =	ssettag $0x0;
	lr =	simm.s32 $0x1  }
0x2: {  	[smem:$0x3F9F] =	sst lr;
	_ =	strace $0xD0000000  }
0x3: {  	_ = 	snop  }
0x4: {  	_ = 	snop  }
0x5: {  	_ = 	snop  }
0x6: {  	_ = 	snop  }
0x7: {  	_ = 	snop  }
__scs_overlays_trampoline_lowered:
0x8: {  	[smem:$0x3FAE] =	sst s0  }
0x9: {  	[smem:$0x3FAF] =	sst s1  }
0xa: {  	[smem:$0x3FB0] =	sst s2  }
0xb: {  	[smem:$0x3FB1] =	sst s3  }
0xc: {  	[smem:$0x3FB2] =	sst s4  }
0xd: {  	[smem:$0x3FB3] =	sst s5  }
0xe: {  	[smem:$0x3FB4] =	sst s6  }
0xf: {  	[smem:$0x3FB5] =	sst s7  }
0x10: {  	[smem:$0x3FB6] =	sst s8  }
0x11: {  	[smem:$0x3FB7] =	sst s9;
	s0 =	simm.s32 @!p0 $0x0  }
0x12: {  	s1 =	sld [smem:$0x3F9D];
	s0 =	simm.s32 @p0 $0x1  }
0x13: {  	[smem:$0x3FB8] =	sst s0;
	s0 =	simm.s32 @!p1 $0x0  }
0x14: {  	s2 =	sld [smem:$0x3F9C];
	s0 =	simm.s32 @p1 $0x1  }
0x15: {  	[smem:$0x3FB9] =	sst s0;
	s0 =	simm.s32 @!p2 $0x0  }
0x16: {  	s3 =	sld [smem:$0x3FDB];
	s0 =	simm.s32 @p2 $0x1  }
0x17: {  	s4 =	simm.s32 $0x1BF5;
	[smem:$0x3FBB] =	sst s0  }
0x18: {  	s0 =	sld [smem:$0x3F9E];
	_ =	swait.ge [sflag:s4], $0x0  }
0x19: {  	s7 =	sld [smem:$0x3F9F]  }
0x1a: {  	s8 =	sadd.s32 $0xFFFFE003, lr  }
0x1b: {  	s9 =	sadd.s32 $0xFFFFFEF7, lr;
	s5 =	simm.s32 $0xFFFFFFFF;
	p2 =	slt.u32 s8, $0xFFFFF086  }
0x1c: {  	p1 =	slt.u32 s9, $0xF7A;
	s5 =	simm.s32 @!p2 $0x0  }
0x1d: {  	s5 =	simm.s32 @p1 $0x1;
	p0 =	seq.s32 s7, s2  }
0x1e: {  	s7 =	smul.u32 @!p0 $0xF7A, s2;
	p2 =	seq.s32 @!p0 s5, $0x0  }
0x1f: {  	s9 =	smul.u32 $0xF7A, s1;
	s8 =	simm.s32 @!p0 $0x1BF5;
	p2 =	por !p2, p0  }
0x20: {  	[sflag:s8] =	ssyncset.s32 @!p0 $0xFFFFF086;
	s6 =	sadd.s32 @!p0 s3, s7;
	s7 =	simm.s32 @!p0 $0x108  }
0x21: {  	s3 =	sadd.s32 s3, s9;
	s6 =	sadd.s32 @!p0 $0x88, s6;
	s7 =	simm.s32 @p2 $0x1082  }
0x22: {  	[simem:s7], [sflag:s8] =	dma.local @!p0 [hbm:s6], $0xF7A  }
0x23: {  	s9 =	sor.u32 $0xD0000000, s2;
	s6 =	simm.s32 $0x108;
	_ =	swait.ge @!p0 [sflag:s8], $0x0  }
0x24: {  	s3 =	sadd.s32 $0x88, s3;
	s6 =	simm.s32 @!p1 $0x1082;
	[sflag:s4] =	ssyncset.s32 $0xFFFFF086  }
0x25: {  	[simem:s6], [sflag:s4] =	dma.local [hbm:s3], $0xF7A  }
0x26: {  	[smem:$0x3F9F] =	sst s1;
	(tag) =	ssettag s2;
	_ =	strace s9  }
0x27: {  	s1 =	sld [smem:$0x3FAF]  }
0x28: {  	s2 =	sld [smem:$0x3FB0]  }
0x29: {  	s4 =	sld [smem:$0x3FB2]  }
0x2a: {  	p0 =	seq.s32 s5, $0x0;
	s5 =	sld [smem:$0x3FB3]  }
0x2b: {  	s6 =	sld [smem:$0x3FB4]  }
0x2c: {  	s7 =	sld [smem:$0x3FB5]  }
0x2d: {  	s3 =	simm.s32 $0x108;
	s8 =	sld [smem:$0x3FB6]  }
0x2e: {  	s3 =	simm.s32 @!p0 $0x1082;
	s9 =	sld [smem:$0x3FB7]  }
0x2f: {  	lr =	sadd.s32 s0, s3;
	s0 =	sld [smem:$0x3FAE]  }
0x30: {  	s3 =	sld [smem:$0x3FB1]  }
0x31: {  	[smem:$0x3FBA] =	sst s10  }
0x32: {  	s10 =	sld [smem:$0x3FB8];
	_ =	sdelay $0x3  }
0x33: {  	p0 =	seq.s32 s10, $0x1;
	s10 =	sld [smem:$0x3FBA];
	_ =	sdelay $0x3  }
0x34: {  	[smem:$0x3FBA] =	sst s10  }
0x35: {  	s10 =	sld [smem:$0x3FB9];
	_ =	sdelay $0x3  }
0x36: {  	p1 =	seq.s32 s10, $0x1;
	s10 =	sld [smem:$0x3FBA];
	_ =	sdelay $0x3  }
0x37: {  	[smem:$0x3FBA] =	sst s10  }
0x38: {  	s10 =	sld [smem:$0x3FBB]  }
0x39: {  	_ = 	snop;
	(pc) =	sbr.ind lr, $3  }
0x3a: {  	_ = 	snop  }
0x3b: {  	_ = 	snop  }
0x3c: {  	p2 =	seq.s32 s10, $0x1;
	s10 =	sld [smem:$0x3FBA]  }
0x3d: {  	_ =	shalt  }
0x3e: {  	_ =	shalt  }
0x3f: {  	_ =	shalt  }
0x40: {  	_ =	shalt  }
0x41: {  	_ =	shalt  }
0x42: {  	_ =	shalt  }
0x43: {  	_ =	shalt  }
0x44: {  	_ =	shalt  }
0x45: {  	_ =	shalt  }
0x46: {  	_ =	shalt  }
0x47: {  	_ =	shalt  }
0x48: {  	_ =	shalt  }
0x49: {  	_ =	shalt  }
0x4a: {  	_ =	shalt  }
0x4b: {  	_ =	shalt  }
0x4c: {  	_ =	shalt  }
0x4d: {  	_ =	shalt  }
0x4e: {  	_ =	shalt  }
0x4f: {  	_ =	shalt  }
0x50: {  	_ =	shalt  }
0x51: {  	_ =	shalt  }
0x52: {  	_ =	shalt  }
0x53: {  	_ =	shalt  }
0x54: {  	_ =	shalt  }
0x55: {  	_ =	shalt  }
0x56: {  	_ =	shalt  }
0x57: {  	_ =	shalt  }
0x58: {  	_ =	shalt  }
0x59: {  	_ =	shalt  }
0x5a: {  	_ =	shalt  }
0x5b: {  	_ =	shalt  }
0x5c: {  	_ =	shalt  }
0x5d: {  	_ =	shalt  }
0x5e: {  	_ =	shalt  }
0x5f: {  	_ =	shalt  }
0x60: {  	_ =	shalt  }
0x61: {  	_ =	shalt  }
0x62: {  	_ =	shalt  }
0x63: {  	_ =	shalt  }
0x64: {  	_ =	shalt  }
0x65: {  	_ =	shalt  }
0x66: {  	_ =	shalt  }
0x67: {  	_ =	shalt  }
0x68: {  	_ =	shalt  }
0x69: {  	_ =	shalt  }
0x6a: {  	_ =	shalt  }
0x6b: {  	_ =	shalt  }
0x6c: {  	_ =	shalt  }
0x6d: {  	_ =	shalt  }
0x6e: {  	_ =	shalt  }
0x6f: {  	_ =	shalt  }
0x70: {  	_ =	shalt  }
0x71: {  	_ =	shalt  }
0x72: {  	_ =	shalt  }
0x73: {  	_ =	shalt  }
0x74: {  	_ =	shalt  }
0x75: {  	_ =	shalt  }
0x76: {  	_ =	shalt  }
0x77: {  	_ =	shalt  }
0x78: {  	_ =	shalt  }
0x79: {  	_ =	shalt  }
0x7a: {  	_ =	shalt  }
0x7b: {  	_ =	shalt  }
0x7c: {  	_ =	shalt  }
0x7d: {  	_ =	shalt  }
0x7e: {  	_ =	shalt  }
0x7f: {  	_ =	shalt  }
0x80: {  	_ =	shalt  }
0x81: {  	_ =	shalt  }
0x82: {  	_ =	shalt  }
0x83: {  	_ =	shalt  }
0x84: {  	_ =	shalt  }
0x85: {  	_ =	shalt  }
0x86: {  	_ =	shalt  }
0x87: {  	_ =	shalt  }
.Lfunc_end0:
.L_simem_size_0:
called_computation_lowered:
.L_overlay_start_0:
0x88: {  	s2 =	sld [smem:$0x3FD9]  }
0x89: {  	s3 =	sld [smem:$0x3FFE];
	_ =	sdelay $0x1  }
0x8a: {  	s1 =	srdreg.scid  }
0x8b: {  	s0 =	sand.u32 $0x1, s1  }
0x8c: {  	s17 =	sshll.u32 s0, $0xA;
	s2 =	sadd.s32 s3, s2  }
0x8d: {  	s2 =	sadd.s32 s2, s17  }
0x8e: {  	[smem:$0x3FC6] =	sst s2  }
0x8f: {  	_ = 	snop  }
0x90: {  	s2 =	sld [smem:$0x3FC8]  }
0x91: {  	s18 =	sld [smem:$0x3FD0];
	(tm) =	ssettm $0x1  }
0x92: {  	s4 =	sld [smem:$0x3FFB];
	_ =	sdelay $0x3  }
0x93: {  	_ =	strace s4  }
0x94: {  	s4 =	sld [smem:$0x3FFC];
	_ =	sdelay $0x3  }
0x95: {  	_ =	strace s4  }
0x96: {  	s4 =	sld [smem:$0x3FFD];
	_ =	sdelay $0x3  }
0x97: {  	_ =	strace s4  }
0x98: {  	_ =	strace $0x8FFFFFFF  }
0x99: {  	s19 =	sld [smem:$0x3FDB];
	_ =	sdelay $0x1  }
0x9a: {  	s5 =	simm.s32 $_scs_section_size  }
0x9b: {  	s6 =	simm.s32 $_size__tile_overlayer_lowered;
	s7 =	simm.s32 $_tile_overlayer_lowered  }
0x9c: {  	s22 =	simm.s32 $0x1BFF;
	s21 =	sshll.u32 s7, $0x1;
	s4 =	sadd.s32 s5, s19  }
0x9d: {  	s8 =	simm.s32 $0x0;
	s20 =	sshll.u32 s6, $0x1;
	s6 =	sadd.s32 s21, s4  }
0x9e: {  	[timem:s8], [sflag:s22] =	dma.local [hbm:s6], s20  }
0x9f: {  	_ =	swait.ge [sflag:s22], s20  }
0xa0: {  	s5 =	ssub.s32 $0x0, s20;
	[sflag:s22] =	ssyncset.done $0x0  }
0xa1: {  	[sflag:s22] =	ssyncadd.s32 s5;
	_ =	sdelay $0x1  }
0xa2: {  	s23 =	simm.s32 $0x1B8B  }
0xa3: {  	_ =	swait.ge [sflag:s23], $0x1  }
0xa4: {  	[sflag:s23] =	ssyncset.done $0x0  }
0xa5: {  	s25 =	simm.s32 $0x1B8E;
	s24 =	sld [smem:$0x3FFE];
	[sflag:s23] =	ssyncadd.s32 $0xFFFFFFFF  }
0xa6: {  	s26 =	simm.s32 $execute0_lowered;
	[smem:$0x3FD2] =	sst s25  }
0xa7: {  	s6 =	sshll.u32 s26, $0x1;
	_ =	strace $0x80000046;
	[dreg:$0x1] =	wrdreg $0xFFFFFFFF  }
0xa8: {  	s28 =	simm.s32 $_size_execute0_lowered;
	s4 =	sadd.s32 s4, s6;
	[dreg:$0x0] =	wrdreg $0x0  }
0xa9: {  	s6 =	sshll.u32 s28, $0x1;
	[dreg:$0x2] =	wrdreg s4  }
0xaa: {  	[dreg:$0x3] =	wrdreg s6  }
0xab: {  	[dreg:$0x4] =	wrdreg $0xC0  }
0xac: {  	_ =	task [dreg:s8], $0x5FFFF  }
0xad: {  	[dreg:$0x1] =	wrdreg $0xFFFFFFFF  }
0xae: {  	[dreg:$0x0] =	wrdreg $0x60  }
0xaf: {  	[dreg:$0x2] =	wrdreg s2  }
0xb0: {  	[dreg:$0x3] =	wrdreg s24  }
0xb1: {  	[dreg:$0x4] =	wrdreg s18  }
0xb2: {  	[dreg:$0x5] =	wrdreg $0x9  }
0xb3: {  	_ =	task.clear_ibuf [dreg:s8], $0x6FFFF;
	_ =	strace $0x90000046  }
0xb4: {  	s29 =	simm.s32 $0x9;
	_ =	strace $0x80000048  }
0xb5: {  	_ =	swait.ge [sflag:s29], $0x1  }
0xb6: {  	[sflag:s29] =	ssyncadd.s32 $0xFFFFFFFF  }
0xb7: {  	_ =	strace $0x90000048  }
0xb8: {  	_ =	sfence  }
0xb9: {  	s30 =	sld [smem:$0x0];
	_ =	sdelay $0x2  }
0xba: {  	s31 =	sshll.u32 s1, $0xD;
	s1 =	sshrl.u32 s1, $0x2  }
0xbb: {  	s3 =	sand.u32 $0x4000, s31;
	s1 =	sadd.s32 s1, s30  }
0xbc: {  	s0 =	sor.u32 s3, s0;
	s1 =	sshll.u32 s1, $0x11  }
0xbd: {  	s0 =	sor.u32 s1, s0  }
0xbe: {  	s0 =	sadd.s32 $0x8F2B, s0  }
0xbf: {  	[sflag:s0] =	ssyncadd.remote.s32 $0x1  }
0xc0: {  	_ =	sfence.sel $0xFFFF  }
0xc1: {  	[dreg:$0x0] =	wrdreg $0xFFFFFFFF;
	(pc) =	sbr.abs _section_cstart, $3  }
0xc2: {  	[dreg:$0x1] =	wrdreg $0xFFFFFFFF  }
0xc3: {  	_ =	task.clear_ibuf [dreg:s8], $0x2FFFF;
	_ =	strace $0x9FFFFFFF  }
0xc4: {  	(tm) =	ssettm $0x7FFFFFFF  }
0xc5: {  	_ =	shalt  }
tec
execute0_lowered:
.L_overlay_start_1:
0x0: {  	(tag) =	ssettag $0x1  }
0x1: {  	s1 =	rddreg [dreg:$0x0]  }
0x2: {  	s0 =	rddreg [dreg:$0x1]  }
0x3: {  	s3 =	rddreg [dreg:$0x2]  }
0x4: {  	s2 =	srdreg.scid;
	s9 =	stileid.u32  }
0x5: {  	s4 =	simm.s32 $0x0;
	s12 =	simm.s32 $0x80;
	s31 =	simm.s32 $0x1C00  }
0x6: {  	s13 =	simm.s32 $0x5C00;
	s14 =	simm.s32 $0x1;
	s15 =	simm.s32 $0x9C00  }
0x7: {  	s16 =	simm.s32 $0xDC00;
	s17 =	simm.s32 $0x11C00;
	s21 =	simm.s32 $0x5  }
0x8: {  	s22 =	simm.s32 $0x6;
	s23 =	simm.s32 $0x0;
	s2 =	sand.u32 $0x1, s2  }
0x9: {  	s5 =	sshll.u32 s9, $0x1;
	[smem:$0x7FF] =	sst s4;
	s9 =	sshll.u32 s9, $0xF  }
0xa: {  	s6 =	sor.u32 s2, s5;
	_ =	strace $0x80000047;
	s7 =	ssub.s32 $0x2, s2  }
0xb: {  	s2 =	sshll.u32 s2, $0xE;
	[dreg:$0x4] =	wrdreg s31;
	s5 =	smul.u32 $0x380, s6  }
0xc: {  	s8 =	sshrl.u32 s7, $0x1;
	s2 =	sor.u32 s2, s9;
	s25 =	sshll.u32 s6, $0xE  }
0xd: {  	s7 =	ssub.s32 s7, s8;
	s26 =	sshrl.u32 s2, $0x3;
	[dreg:$0x5] =	wrdreg s25  }
0xe: {  	s29 =	sor.u32 $0x200000, s2;
	s30 =	sor.u32 $0x180000, s2;
	s2 =	sor.u32 $0x100000, s2  }
0xf: {  	s0 =	sadd.s32 s5, s0;
	s28 =	smax.u32 s7, $0x1;
	s7 =	sadd.s32 s26, s3  }
0x10: {  	s8 =	sshrl.u32 s30, $0x3;
	s0 =	sadd.s32 $0x400, s0;
	[dreg:$0x7] =	wrdreg s28  }
0x11: {  	s2 =	sshrl.u32 s2, $0x3;
	[dreg:$0x6] =	wrdreg s0;
	s0 =	sshrl.u32 s29, $0x3  }
0x12: {  	s9 =	sadd.s32 s8, s3;
	s10 =	sadd.s32 s2, s3;
	s0 =	sadd.s32 s0, s3  }
.LBB2_1:
0x13: {  	s2 =	rddreg [dreg:$0x6];
	s8 =	simm.s32 $0x7  }
0x14: {  	[tilespmem:s4], [sflag:$0x7] =	stream.linear.gather [hbm4b:s2+s4], $0x1900, $0x38;
	[tilespmem:$0x15C00] =	vst v63  }
0x15: {  	_ =	swait.ge [sflag:s8], $0x1900  }
0x16: {  	p0 =	por $0x0, $0x0;
	[sflag:s8] =	ssyncset.done $0x0  }
0x17: {  	s2 =	simm.s32 @p0 $0x2;
	[sflag:s8] =	ssyncadd.s32 $0xFFFFE700  }
0x18: {  	_ =	swait.ge @p0 [sflag:s2], $0x4000  }
0x19: {  	s24 =	simm.s32 @p0 $0x3;
	s25 =	simm.s32 @p0 $0x0;
	[sflag:s2] =	ssyncset.done @p0 $0x0  }
0x1a: {  	s26 =	simm.s32 @p0 $0x80;
	s8 =	simm.s32 @p0 $0x1C00;
	[sflag:s2] =	ssyncadd.s32 @p0 $0xFFFFC000  }
0x1b: {  	[tilespmem:s8], [sflag:$0x1] =	stream.indirect.gather @p0 [hbm4b:s1+s26], $0x80, s25, s26, $0xb8;
	[tilespmem:$0x15C00] =	vst v63  }
0x1c: {  	s2 =	simm.s32 @!p0 $0x1C00;
	s8 =	simm.s32 $0x1;
	_ =	swait.ge @p0 [sflag:s24], $0x4000  }
0x1d: {  	s25 =	simm.s32 @!p0 $0x80;
	s8 =	simm.s32 @!p0 $0x1;
	[sflag:s24] =	ssyncset.done @p0 $0x0  }
0x1e: {  	s11 =	sshll.u32 s8, $0x7;
	[sflag:s24] =	ssyncadd.s32 @p0 $0xFFFFC000;
	s24 =	simm.s32 @!p0 $0x0  }
0x1f: {  	[tilespmem:s2], [sflag:$0x1] =	stream.indirect.gather @!p0 [hbm4b:s1+s25], $0x80, s24, s25, $0xb8;
	[tilespmem:$0x15C00] =	vst v63  }
0x20: {  	s18 =	sand.u32 $0x3FFFFF80, s11  }
0x21: {  	[tilespmem:s13], [sflag:$0x1] =	stream.indirect.gather [hbm4b:s1+s12], $0x80, s18, s12, $0xb8;
	[tilespmem:$0x15C00] =	vst v63  }
0x22: {  	_ =	swait.ge [sflag:s14], $0x4000  }
0x23: {  	p0 =	por $0x1, $0x1;
	[sflag:s14] =	ssyncset.done $0x0  }
0x24: {  	s24 =	simm.s32 @!p0 $0x4;
	s19 =	rddreg [dreg:$0x4];
	[sflag:s14] =	ssyncadd.s32 $0xFFFFC000  }
0x25: {  	[hbm4b:s7+s4] =	stream.linear.scatter [tilespmem:s19], [sflag:$0x2], $0x4000, $0x38;
	[tilespmem:$0x15C00] =	vst v63  }
0x26: {  	_ =	swait.ge @!p0 [sflag:s24], $0x4000  }
0x27: {  	[sflag:s24] =	ssyncset.done @!p0 $0x0  }
0x28: {  	s20 =	simm.s32 $0x100;
	[sflag:s24] =	ssyncadd.s32 @!p0 $0xFFFFC000  }
0x29: {  	[tilespmem:s15], [sflag:$0x1] =	stream.indirect.gather [hbm4b:s1+s12], $0x80, s20, s12, $0xb8;
	[tilespmem:$0x15C00] =	vst v63  }
0x2a: {  	_ =	swait.ge [sflag:s14], $0x4000  }
0x2b: {  	s8 =	sshll.u32 s8, $0x13;
	s24 =	rddreg [dreg:$0x5]  }
0x2c: {  	s2 =	sor.u32 s24, s8  }
0x2d: {  	[sflag:s14] =	ssyncset.done $0x0;
	s2 =	sshrl.u32 s2, $0x3  }
0x2e: {  	[sflag:s14] =	ssyncadd.s32 $0xFFFFC000;
	s8 =	simm.s32 @!p0 $0x5;
	s2 =	sadd.s32 s3, s2  }
0x2f: {  	[hbm4b:s2+s4] =	stream.linear.scatter [tilespmem:s13], [sflag:$0x3], $0x4000, $0x38;
	[tilespmem:$0x15C00] =	vst v63  }
0x30: {  	_ =	swait.ge @!p0 [sflag:s8], $0x4000  }
0x31: {  	[sflag:s8] =	ssyncset.done @!p0 $0x0  }
0x32: {  	s25 =	simm.s32 $0x180;
	[sflag:s8] =	ssyncadd.s32 @!p0 $0xFFFFC000  }
0x33: {  	[tilespmem:s16], [sflag:$0x1] =	stream.indirect.gather [hbm4b:s1+s12], $0x80, s25, s12, $0xb8;
	[tilespmem:$0x15C00] =	vst v63  }
0x34: {  	_ =	swait.ge [sflag:s14], $0x4000  }
0x35: {  	[sflag:s14] =	ssyncset.done $0x0  }
0x36: {  	s2 =	simm.s32 @!p0 $0x6;
	[sflag:s14] =	ssyncadd.s32 $0xFFFFC000  }
0x37: {  	[hbm4b:s10+s4] =	stream.linear.scatter [tilespmem:s15], [sflag:$0x4], $0x4000, $0x38;
	[tilespmem:$0x15C00] =	vst v63  }
0x38: {  	_ =	swait.ge @!p0 [sflag:s2], $0x4000  }
0x39: {  	[sflag:s2] =	ssyncset.done @!p0 $0x0  }
0x3a: {  	s29 =	simm.s32 $0xA00;
	s26 =	simm.s32 $0x200;
	[sflag:s2] =	ssyncadd.s32 @!p0 $0xFFFFC000  }
0x3b: {  	[tilespmem:s17], [sflag:$0x1] =	stream.indirect.gather [hbm4b:s1+s12], $0x80, s26, s12, $0xb8;
	[tilespmem:$0x15C00] =	vst v63  }
0x3c: {  	s31 =	simm.s32 $0x1400;
	s28 =	simm.s32 $0x6;
	_ =	swait.ge [sflag:s14], $0x4000  }
0x3d: {  	p1 =	por $0x1, $0x1;
	s30 =	sadd.s32 $0x50000, s7;
	[sflag:s14] =	ssyncset.done $0x0  }
0x3e: {  	s24 =	sadd.s32 $0x50000, s0;
	s8 =	smov.u32 s0;
	[sflag:s14] =	ssyncadd.s32 $0xFFFFC000  }
0x3f: {  	[hbm4b:s9+s4] =	stream.linear.scatter [tilespmem:s16], [sflag:$0x5], $0x4000, $0x38;
	[tilespmem:$0x15C00] =	vst v63  }
0x40: {  	s25 =	sadd.s32 $0x50000, s9;
	s26 =	sadd.s32 $0x50000, s10;
	_ =	swait.ge [sflag:s14], $0x4000  }
.LBB2_2:
0x41: {  	[sflag:s14] =	ssyncset.done $0x0  }
0x42: {  	s5 =	simm.s32 @p1 $0x2;
	[sflag:s14] =	ssyncadd.s32 $0xFFFFC000  }
0x43: {  	[hbm4b:s8+s4] =	stream.linear.scatter [tilespmem:s17], [sflag:$0x6], $0x4000, $0x38;
	[tilespmem:$0x15C00] =	vst v63  }
0x44: {  	_ =	swait.ge @p1 [sflag:s5], $0x4000  }
0x45: {  	s11 =	simm.s32 @p1 $0x1C00;
	s18 =	simm.s32 @p1 $0x3;
	[sflag:s5] =	ssyncset.done @p1 $0x0  }
0x46: {  	s19 =	sshra.s32 @p1 s29, $0x2;
	s20 =	simm.s32 @p1 $0x80;
	[sflag:s5] =	ssyncadd.s32 @p1 $0xFFFFC000  }
0x47: {  	[tilespmem:s11], [sflag:$0x1] =	stream.indirect.gather @p1 [hbm4b:s1+s20], $0x80, s19, s20, $0xb8;
	[tilespmem:$0x15C00] =	vst v63  }
0x48: {  	s5 =	simm.s32 @!p1 $0x1C00;
	s11 =	smov.u32 s28;
	_ =	swait.ge @p1 [sflag:s18], $0x4000  }
0x49: {  	s19 =	simm.s32 @!p1 $0x80;
	s11 =	simm.s32 @!p1 $0x1;
	[sflag:s18] =	ssyncset.done @p1 $0x0  }
0x4a: {  	s20 =	sshll.u32 s11, $0x7;
	[sflag:s18] =	ssyncadd.s32 @p1 $0xFFFFC000;
	s18 =	simm.s32 @!p1 $0x0  }
0x4b: {  	[tilespmem:s5], [sflag:$0x1] =	stream.indirect.gather @!p1 [hbm4b:s1+s19], $0x80, s18, s19, $0xb8;
	[tilespmem:$0x15C00] =	vst v63  }
0x4c: {  	s18 =	sand.u32 $0x3FFFFF80, s20  }
0x4d: {  	[tilespmem:s13], [sflag:$0x1] =	stream.indirect.gather [hbm4b:s1+s12], $0x80, s18, s12, $0xb8;
	[tilespmem:$0x15C00] =	vst v63  }
0x4e: {  	_ =	swait.ge [sflag:s14], $0x4000  }
0x4f: {  	p1 =	seq.s32 s29, $0x0;
	[sflag:s14] =	ssyncset.done $0x0  }
0x50: {  	s18 =	simm.s32 @!p1 $0x4;
	s19 =	rddreg [dreg:$0x4];
	[sflag:s14] =	ssyncadd.s32 $0xFFFFC000  }
0x51: {  	[hbm4b:s30+s4] =	stream.linear.scatter [tilespmem:s19], [sflag:$0x2], $0x4000, $0x38;
	[tilespmem:$0x15C00] =	vst v63  }
0x52: {  	_ =	swait.ge @!p1 [sflag:s18], $0x4000  }
0x53: {  	s5 =	sshra.s32 s29, $0x2;
	[sflag:s18] =	ssyncset.done @!p1 $0x0  }
0x54: {  	s20 =	sadd.s32 $0x100, s5;
	[sflag:s18] =	ssyncadd.s32 @!p1 $0xFFFFC000  }
0x55: {  	[tilespmem:s15], [sflag:$0x1] =	stream.indirect.gather [hbm4b:s1+s12], $0x80, s20, s12, $0xb8;
	[tilespmem:$0x15C00] =	vst v63  }
0x56: {  	_ =	swait.ge [sflag:s14], $0x4000  }
0x57: {  	s6 =	smov.u32 s31;
	s11 =	sshll.u32 s11, $0x13;
	s19 =	rddreg [dreg:$0x5]  }
0x58: {  	s29 =	smov.u32 s6;
	s6 =	sor.u32 s19, s11  }
0x59: {  	[sflag:s14] =	ssyncset.done $0x0;
	s6 =	sshrl.u32 s6, $0x3  }
0x5a: {  	[sflag:s14] =	ssyncadd.s32 $0xFFFFC000;
	s11 =	simm.s32 @!p1 $0x5;
	s6 =	sadd.s32 s3, s6  }
0x5b: {  	[hbm4b:s6+s4] =	stream.linear.scatter [tilespmem:s13], [sflag:$0x3], $0x4000, $0x38;
	[tilespmem:$0x15C00] =	vst v63  }
0x5c: {  	_ =	swait.ge @!p1 [sflag:s11], $0x4000  }
0x5d: {  	[sflag:s11] =	ssyncset.done @!p1 $0x0  }
0x5e: {  	s20 =	sadd.s32 $0x180, s5;
	[sflag:s11] =	ssyncadd.s32 @!p1 $0xFFFFC000  }
0x5f: {  	[tilespmem:s16], [sflag:$0x1] =	stream.indirect.gather [hbm4b:s1+s12], $0x80, s20, s12, $0xb8;
	[tilespmem:$0x15C00] =	vst v63  }
0x60: {  	_ =	swait.ge [sflag:s14], $0x4000  }
0x61: {  	[sflag:s14] =	ssyncset.done $0x0  }
0x62: {  	s6 =	simm.s32 @!p1 $0x6;
	[sflag:s14] =	ssyncadd.s32 $0xFFFFC000  }
0x63: {  	[hbm4b:s26+s4] =	stream.linear.scatter [tilespmem:s15], [sflag:$0x4], $0x4000, $0x38;
	[tilespmem:$0x15C00] =	vst v63  }
0x64: {  	_ =	swait.ge @!p1 [sflag:s6], $0x4000  }
0x65: {  	s31 =	sadd.s32 $0xA00, s31;
	s2 =	smov.u32 s25;
	[sflag:s6] =	ssyncset.done @!p1 $0x0  }
0x66: {  	p0 =	sne.s32 s31, $0x6400;
	s5 =	sadd.s32 $0x200, s5;
	[sflag:s6] =	ssyncadd.s32 @!p1 $0xFFFFC000  }
0x67: {  	[tilespmem:s17], [sflag:$0x1] =	stream.indirect.gather [hbm4b:s1+s12], $0x80, s5, s12, $0xb8;
	[tilespmem:$0x15C00] =	vst v63  }
.Ltmp0:
0x68: {  	s25 =	sadd.s32 $0x50000, s25;
	_ =	swait.ge [sflag:s14], $0x4000;
	(pc) =	sbr.rel @p0 .LBB2_2-.Ltmp0, $4  }
0x69: {  	s8 =	smov.u32 s24;
	s24 =	sadd.s32 $0x50000, s24;
	[sflag:s14] =	ssyncset.done $0x0  }
0x6a: {  	s28 =	sadd.s32 $0x5, s28;
	s30 =	sadd.s32 $0x50000, s30;
	[sflag:s14] =	ssyncadd.s32 $0xFFFFC000  }
0x6b: {  	[hbm4b:s2+s4] =	stream.linear.scatter [tilespmem:s16], [sflag:$0x5], $0x4000, $0x38;
	[tilespmem:$0x15C00] =	vst v63  }
0x6c: {  	s26 =	sadd.s32 $0x50000, s26;
	p1 =	sne.s32 s29, $0x0;
	_ =	swait.ge [sflag:s14], $0x4000  }
0x6d: {  	[sflag:s14] =	ssyncset.done $0x0  }
0x6e: {  	s2 =	simm.s32 @p1 $0x2;
	[sflag:s14] =	ssyncadd.s32 $0xFFFFC000  }
0x6f: {  	[hbm4b:s8+s4] =	stream.linear.scatter [tilespmem:s17], [sflag:$0x6], $0x4000, $0x38;
	[tilespmem:$0x15C00] =	vst v63  }
0x70: {  	_ =	swait.ge @p1 [sflag:s2], $0x4000  }
0x71: {  	s5 =	simm.s32 @p1 $0x1C00;
	[sflag:s2] =	ssyncset.done @p1 $0x0  }
0x72: {  	s6 =	sshra.s32 @p1 s29, $0x2;
	[sflag:s2] =	ssyncadd.s32 @p1 $0xFFFFC000;
	s2 =	simm.s32 @p1 $0x80  }
0x73: {  	[tilespmem:s5], [sflag:$0x1] =	stream.indirect.gather @p1 [hbm4b:s1+s2], $0x80, s6, s2, $0xb8;
	[tilespmem:$0x15C00] =	vst v63  }
0x74: {  	s2 =	simm.s32 @p1 $0x3  }
0x75: {  	_ =	swait.ge @p1 [sflag:s2], $0x4000  }
0x76: {  	s28 =	simm.s32 @!p1 $0x1;
	s5 =	simm.s32 @!p1 $0x1C00;
	[sflag:s2] =	ssyncset.done @p1 $0x0  }
0x77: {  	s6 =	simm.s32 @!p1 $0x80;
	[sflag:s2] =	ssyncadd.s32 @p1 $0xFFFFC000;
	s2 =	simm.s32 @!p1 $0x0  }
0x78: {  	[tilespmem:s5], [sflag:$0x1] =	stream.indirect.gather @!p1 [hbm4b:s1+s6], $0x80, s2, s6, $0xb8;
	[tilespmem:$0x15C00] =	vst v63  }
0x79: {  	s5 =	sshll.u32 s28, $0x7  }
0x7a: {  	s2 =	sand.u32 $0x3FFFFF80, s5  }
0x7b: {  	[tilespmem:s13], [sflag:$0x1] =	stream.indirect.gather [hbm4b:s1+s12], $0x80, s2, s12, $0xb8;
	[tilespmem:$0x15C00] =	vst v63  }
0x7c: {  	_ =	swait.ge [sflag:s14], $0x4000  }
0x7d: {  	p0 =	seq.s32 s29, $0x0;
	[sflag:s14] =	ssyncset.done $0x0  }
0x7e: {  	s2 =	simm.s32 @!p0 $0x4;
	s6 =	rddreg [dreg:$0x4];
	[sflag:s14] =	ssyncadd.s32 $0xFFFFC000  }
0x7f: {  	[hbm4b:s30+s4] =	stream.linear.scatter [tilespmem:s6], [sflag:$0x2], $0x4000, $0x38;
	[tilespmem:$0x15C00] =	vst v63  }
0x80: {  	_ =	swait.ge @!p0 [sflag:s2], $0x4000  }
0x81: {  	s8 =	sshra.s32 s29, $0x2;
	[sflag:s2] =	ssyncset.done @!p0 $0x0  }
0x82: {  	s11 =	sadd.s32 $0x100, s8;
	[sflag:s2] =	ssyncadd.s32 @!p0 $0xFFFFC000  }
0x83: {  	[tilespmem:s15], [sflag:$0x1] =	stream.indirect.gather [hbm4b:s1+s12], $0x80, s11, s12, $0xb8;
	[tilespmem:$0x15C00] =	vst v63  }
0x84: {  	_ =	swait.ge [sflag:s14], $0x4000  }
0x85: {  	s19 =	sshll.u32 s28, $0x13;
	s18 =	rddreg [dreg:$0x5]  }
0x86: {  	s2 =	sor.u32 s18, s19  }
0x87: {  	[sflag:s14] =	ssyncset.done $0x0;
	s2 =	sshrl.u32 s2, $0x3  }
0x88: {  	[sflag:s14] =	ssyncadd.s32 $0xFFFFC000;
	s2 =	sadd.s32 s3, s2  }
0x89: {  	[hbm4b:s2+s4] =	stream.linear.scatter [tilespmem:s13], [sflag:$0x3], $0x4000, $0x38;
	[tilespmem:$0x15C00] =	vst v63  }
0x8a: {  	s2 =	simm.s32 @!p0 $0x5  }
0x8b: {  	_ =	swait.ge @!p0 [sflag:s2], $0x4000  }
0x8c: {  	[sflag:s2] =	ssyncset.done @!p0 $0x0  }
0x8d: {  	s20 =	sadd.s32 $0x180, s8;
	[sflag:s2] =	ssyncadd.s32 @!p0 $0xFFFFC000  }
0x8e: {  	[tilespmem:s16], [sflag:$0x1] =	stream.indirect.gather [hbm4b:s1+s12], $0x80, s20, s12, $0xb8;
	[tilespmem:$0x15C00] =	vst v63  }
0x8f: {  	_ =	swait.ge [sflag:s14], $0x4000  }
0x90: {  	[sflag:s14] =	ssyncset.done $0x0  }
0x91: {  	s2 =	simm.s32 @!p0 $0x6;
	[sflag:s14] =	ssyncadd.s32 $0xFFFFC000  }
0x92: {  	[hbm4b:s26+s4] =	stream.linear.scatter [tilespmem:s15], [sflag:$0x4], $0x4000, $0x38;
	[tilespmem:$0x15C00] =	vst v63  }
0x93: {  	_ =	swait.ge @!p0 [sflag:s2], $0x4000  }
0x94: {  	[sflag:s2] =	ssyncset.done @!p0 $0x0  }
0x95: {  	s26 =	sadd.s32 $0x200, s8;
	[sflag:s2] =	ssyncadd.s32 @!p0 $0xFFFFC000  }
0x96: {  	[tilespmem:s17], [sflag:$0x1] =	stream.indirect.gather [hbm4b:s1+s12], $0x80, s26, s12, $0xb8;
	[tilespmem:$0x15C00] =	vst v63  }
0x97: {  	_ =	swait.ge [sflag:s14], $0x4000  }
0x98: {  	[sflag:s14] =	ssyncset.done $0x0  }
0x99: {  	[sflag:s14] =	ssyncadd.s32 $0xFFFFC000  }
0x9a: {  	[hbm4b:s25+s4] =	stream.linear.scatter [tilespmem:s16], [sflag:$0x5], $0x4000, $0x38;
	[tilespmem:$0x15C00] =	vst v63  }
0x9b: {  	_ =	swait.ge [sflag:s14], $0x4000  }
0x9c: {  	[sflag:s14] =	ssyncset.done $0x0  }
0x9d: {  	s28 =	simm.s32 $0x2;
	[sflag:s14] =	ssyncadd.s32 $0xFFFFC000  }
0x9e: {  	[hbm4b:s24+s4] =	stream.linear.scatter [tilespmem:s17], [sflag:$0x6], $0x4000, $0x38;
	[tilespmem:$0x15C00] =	vst v63  }
0x9f: {  	_ =	swait.ge [sflag:s28], $0x4000  }
0xa0: {  	[sflag:s28] =	ssyncset.done $0x0  }
0xa1: {  	s29 =	simm.s32 $0x3;
	[sflag:s28] =	ssyncadd.s32 $0xFFFFC000  }
0xa2: {  	_ =	swait.ge [sflag:s29], $0x4000  }
0xa3: {  	[sflag:s29] =	ssyncset.done $0x0  }
0xa4: {  	s30 =	simm.s32 $0x4;
	[sflag:s29] =	ssyncadd.s32 $0xFFFFC000  }
0xa5: {  	_ =	swait.ge [sflag:s30], $0x4000  }
0xa6: {  	[sflag:s30] =	ssyncset.done $0x0  }
0xa7: {  	[sflag:s30] =	ssyncadd.s32 $0xFFFFC000  }
0xa8: {  	_ =	swait.ge [sflag:s21], $0x4000  }
0xa9: {  	[sflag:s21] =	ssyncset.done $0x0  }
0xaa: {  	[sflag:s21] =	ssyncadd.s32 $0xFFFFC000  }
0xab: {  	_ =	swait.ge [sflag:s22], $0x4000  }
0xac: {  	s23 =	sadd.s32 $0x1, s23;
	s31 =	rddreg [dreg:$0x7]  }
0xad: {  	p0 =	sne.s32 s23, s31  }
.Ltmp1:
0xae: {  	_ = 	snop;
	(pc) =	sbr.rel @p0 .LBB2_1-.Ltmp1, $3  }
0xaf: {  	_ =	sdelay $0x1  }
0xb0: {  	[sflag:s22] =	ssyncset.done $0x0  }
0xb1: {  	[sflag:s22] =	ssyncadd.s32 $0xFFFFC000  }
0xb2: {  	_ =	sfence.sel $0x180000  }
0xb3: {  	[bflag:$0x0] =	sbarrier.arrive $0xFFFF  }
0xb4: {  	_ =	strace $0x90000047  }
0xb5: {  	s0 =	stileid.u32;
	[bflag:$0x2] =	sbarrier.arrive $0xFFFF  }
0xb6: {  	p0 =	sne.s32 s0, $0x0;
	s0 =	rddreg [dreg:$0x3]  }
0xb7: {  	s0 =	sadd.s32 @!p0 $0x100000, s0  }
0xb8: {  	[sflag:s0] =	ssyncadd.tile.s32 @!p0 $0x1;
	_ =	shalt  }
.Lfunc_end2:
_tile_overlayer_lowered:
.L_overlay_start_2:
0xb9: {  	(tag) =	ssettag $0x2  }
0xba: {  	s0 =	rddreg [dreg:$0x0];
	s2 =	stileid.u32  }
0xbb: {  	s1 =	rddreg [dreg:$0x1];
	p0 =	sne.s32 s2, $0x0  }
0xbc: {  	s3 =	rddreg [dreg:$0x2];
	[bflag:$0x3] =	sbarrier.arrive $0xFFFF;
	s2 =	simm.s32 @!p0 $0x1C07  }
0xbd: {  	[timem:s3], [sflag:s2] =	dma.local @!p0 [hbm:s0], s1  }
0xbe: {  	s0 =	simm.s32 @!p0 $0x7  }
0xbf: {  	_ =	swait.ge @!p0 [sflag:s0], s1  }
0xc0: {  	s1 =	ssub.s32 @!p0 $0x0, s1;
	[sflag:s0] =	ssyncset.done @!p0 $0x0  }
0xc1: {  	[sflag:s0] =	ssyncadd.s32 @!p0 s1  }
0xc2: {  	[bflag:$0x3] =	sbarrier.arrive $0xFFFF  }
0xc3: {  	_ =	shalt  }

</sc_bundles>
